<compile_context>
chip_gen: v7x
topology: tpu7x:2x2x1
jax: 0.10.2.dev20260603
libtpu: 0.0.44.dev20260713+nightly
codegen_flags: <defaults>
</compile_context>

<pallas_src>
import math

import jax
import jax.numpy as jnp
from jax import lax
from jax.experimental import pallas as pl
from jax.experimental.pallas import tpu as pltpu
from jax.experimental.pallas import tpu_sc as plsc

VOCAB_ROWS = 1000000
D = 64
B0 = 4096
S = 200
B_TOTAL = B0 * S
NC, NS, L = 2, 16, 16
NW = NC * NS
CHUNK = 128
BH = B0 // CHUNK
TOT_CHUNKS = B_TOTAL // CHUNK
N_CHUNKS = TOT_CHUNKS // NW
NBUF = 2
SCALE = math.sqrt(D)

def _body(x_hbm, table_hbm, out_hbm, idx_v, in_v, t_v, gsem, ssem):
    wid = lax.axis_index("s") * NC + lax.axis_index("c")
    base_chunk = wid * N_CHUNKS
    pltpu.sync_copy(x_hbm.at[pl.ds(base_chunk, N_CHUNKS)], idx_v)

    iota = lax.iota(jnp.int32, L)
    bsplat = [jnp.full((L,), b, jnp.int32) for b in range(NBUF)]

    def start_gather(t, b):
        pltpu.async_copy(table_hbm.at[idx_v.at[t]], in_v.at[b], gsem.at[b])

    def wait_gather(b):
        pltpu.make_async_copy(
            table_hbm.at[idx_v.at[0]], in_v.at[b], gsem.at[b]
        ).wait()

    def start_store(t, b):
        c = base_chunk + t
        s = c // BH
        bh = lax.rem(c, BH)
        pltpu.async_copy(t_v.at[b], out_hbm.at[s, :, bh], ssem.at[b])

    def wait_store(b):
        pltpu.make_async_copy(
            t_v.at[b], out_hbm.at[0, :, 0], ssem.at[b]
        ).wait()

    def scale_transpose(t, b):
        @plsc.parallel_loop(0, CHUNK // L, 1)
        def jg_loop(jg):
            j0 = jg * L
            jvec = iota + j0

            @plsc.parallel_loop(0, L, 1, unroll=2)
            def r_loop(r):
                rotv = lax.bitwise_and(iota + r, jnp.full((L,), L - 1, jnp.int32))
                rrow = lax.shift_right_logical(rotv, 3)
                rdl = lax.bitwise_and(rotv, jnp.full((L,), 7, jnp.int32))
                for db in range(D // L):
                    vals = plsc.load_gather(
                        in_v, [bsplat[b], jvec, (db * L) + rotv]
                    ) * SCALE
                    plsc.store_scatter(
                        t_v, [bsplat[b], rrow + 2 * db, rdl, jvec], vals
                    )

    for b in range(NBUF):
        start_gather(b, b)

    for b in range(NBUF):
        wait_gather(b)
        scale_transpose(b, b)
        start_store(b, b)
        start_gather(b + NBUF, b)

    @pl.loop(NBUF, N_CHUNKS - NBUF, step=NBUF)
    def round_loop(t0):
        for b in range(NBUF):
            wait_store(b)
            wait_gather(b)
            scale_transpose(t0 + b, b)
            start_store(t0 + b, b)
            start_gather(t0 + b + NBUF, b)

    for b in range(NBUF):
        t = N_CHUNKS - NBUF + b
        wait_store(b)
        wait_gather(b)
        scale_transpose(t, b)
        start_store(t, b)

    for b in range(NBUF):
        wait_store(b)


@jax.jit
def _embed(x2d, tablep):
    mesh = plsc.VectorSubcoreMesh(
        core_axis_name="c", subcore_axis_name="s", num_cores=NC, num_subcores=NS
    )
    run = pl.kernel(
        _body,
        out_type=jax.ShapeDtypeStruct((S, D // 8, BH, 8, CHUNK), jnp.float32),
        mesh=mesh,
        scratch_types=[
            pltpu.VMEM((N_CHUNKS, CHUNK), jnp.int32),
            pltpu.VMEM((NBUF, CHUNK, CHUNK), jnp.float32),
            pltpu.VMEM((NBUF, D // 8, 8, CHUNK), jnp.float32),
            pltpu.SemaphoreType.DMA((NBUF,)),
            pltpu.SemaphoreType.DMA((NBUF,)),
        ],
        compiler_params=pltpu.CompilerParams(
            use_tc_tiling_on_sc=True,
            needs_layout_passes=False,
            skip_device_barrier=True,
        ),
    )
    return run(x2d, tablep)


def kernel(x, pretrained_vector):
    x2d = x.T.reshape(TOT_CHUNKS, CHUNK).astype(jnp.int32)
    tablep = jnp.pad(pretrained_vector, ((0, 0), (0, CHUNK - D)))
    out4 = _embed(x2d, tablep)
    out = out4.transpose(2, 4, 0, 1, 3).reshape(B0, S, D)
    return out

# --- scband reference (transcript-rebuilt; emitter-appended) ---
"""Pipeline reference for scband-word-embedding-12352325944213 (READ-ONLY COPY).

The authoritative reference and input builder live on the scoring server;
editing this copy changes nothing except your own understanding.
"""

import jax, jax.numpy as jnp
import numpy as np
import math

VOCAB = 1000000
D_MODEL = 64

def setup_inputs(seed: int = 0) -> dict:
    key = jax.random.key(seed)
    k1, k2 = jax.random.split(key)
    x = jax.random.randint(k1, (4096, 200), 0, VOCAB, dtype=jnp.int64 if jax.config.jax_enable_x64 else jnp.int32)
    pretrained_vector = jax.random.normal(k2, (VOCAB, D_MODEL), dtype=jnp.float32)
    return {"x": x, "pretrained_vector": pretrained_vector}

def reference(x, pretrained_vector):
    # WordEmbedding.forward: embedding lookup scaled by sqrt(d_model)
    emb = jnp.take(pretrained_vector, x, axis=0)
    return emb * math.sqrt(D_MODEL)

if __name__ == "__main__":
    import jax
    _d = setup_inputs()
    print(jax.jit(kernel)(*tuple(_d.values())))

</pallas_src>

<mosaic_0001>
#map = affine_map<(d0, d1) -> (0, 0)>
#map1 = affine_map<(d0, d1) -> (0, 0, 0, 0, 0)>
module attributes {stable_mosaic.version = 14 : i64} {
  func.func @_body(%arg0: i32, %arg1: i32, %arg2: memref<6400x128xi32, #tpu.memory_space<hbm>>, %arg3: memref<1000000x128xf32, #tpu.memory_space<hbm>>, %arg4: memref<200x8x32x8x128xf32, #tpu.memory_space<hbm>>, %arg5: memref<200x128xi32, #tpu.memory_space<vmem>>, %arg6: memref<2x128x128xf32, #tpu.memory_space<vmem>>, %arg7: memref<2x8x8x128xf32, #tpu.memory_space<vmem>>, %arg8: memref<2x!tpu.dma_semaphore, #tpu.memory_space<semaphore_mem>>, %arg9: memref<2x!tpu.dma_semaphore, #tpu.memory_space<semaphore_mem>>) attributes {dimension_semantics = [#tpu.dimension_semantics<core_parallel>, #tpu.dimension_semantics<subcore_parallel>], iteration_bounds = array<i64: 2, 16>, scalar_prefetch = 0 : i64, scratch_operands = 5 : i64, tpu.core_type = #tpu.core_type<sc_vector_subcore>, window_params = [{transform_indices = #map}, {transform_indices = #map}, {transform_indices = #map1}]} {
    %mul3A = arith.constant 2 : i32
    %mul3A_0 = arith.muli %arg1, %mul3A : i32
    %add3A = arith.addi %mul3A_0, %arg0 : i32
    %mul3A_1 = arith.constant 200 : i32
    %mul3A_2 = arith.muli %add3A, %mul3A_1 : i32
    "tpu.region"() ({
      %run_scoped3A = tpu.sem_alloc : memref<!tpu.dma_semaphore, #tpu.memory_space<semaphore_mem>>
      %dma_start3A_443 = arith.constant 0 : i32
      %dma_start3A_444 = tpu.memref_slice %arg2[%mul3A_2, %dma_start3A_443] : memref<6400x128xi32, #tpu.memory_space<hbm>> -> memref<200x128xi32, #tpu.memory_space<hbm>>
      %dma_start3A_445 = arith.constant 0 : i32
      %dma_start3A_446 = tpu.memref_slice %arg2[%mul3A_2, %dma_start3A_445] : memref<6400x128xi32, #tpu.memory_space<hbm>> -> memref<200x128xi32, #tpu.memory_space<hbm>>
      tpu.enqueue_dma source(%dma_start3A_446 : memref<200x128xi32, #tpu.memory_space<hbm>>) target(%arg5 : memref<200x128xi32, #tpu.memory_space<vmem>>) target_semaphore(%run_scoped3A : memref<!tpu.dma_semaphore, #tpu.memory_space<semaphore_mem>>)
      %dma_wait3A_447 = arith.constant 0 : i32
      %dma_wait3A_448 = tpu.memref_slice %arg2[%mul3A_2, %dma_wait3A_447] : memref<6400x128xi32, #tpu.memory_space<hbm>> -> memref<200x128xi32, #tpu.memory_space<hbm>>
      %dma_wait3A_449 = arith.constant 0 : i32
      %dma_wait3A_450 = tpu.memref_slice %arg2[%mul3A_2, %dma_wait3A_449] : memref<6400x128xi32, #tpu.memory_space<hbm>> -> memref<200x128xi32, #tpu.memory_space<hbm>>
      tpu.wait_dma2 semaphore(%run_scoped3A : memref<!tpu.dma_semaphore, #tpu.memory_space<semaphore_mem>>) src(%dma_wait3A_450 : memref<200x128xi32, #tpu.memory_space<hbm>>) dst(%arg5 : memref<200x128xi32, #tpu.memory_space<vmem>>)
      tpu.yield
    }) : () -> ()
    %iota3A = tpu.iota {dimensions = array<i32: 0>} : vector<16xi32>
    %broadcast_in_dim3A = arith.constant 0 : i32
    %broadcast_in_dim3A_3 = vector.broadcast %broadcast_in_dim3A : i32 to vector<16xi32>
    %broadcast_in_dim3A_4 = arith.constant 1 : i32
    %broadcast_in_dim3A_5 = vector.broadcast %broadcast_in_dim3A_4 : i32 to vector<16xi32>
    %dma_start3A = arith.constant 0 : i32
    %dma_start3A_6 = arith.constant 0 : i32
    %dma_start3A_7 = arith.constant 0 : i32
    %dma_start3A_8 = arith.constant 0 : i32
    %dma_start3A_9 = arith.constant 0 : i32
    %dma_start3A_10 = tpu.memref_slice %arg6[%dma_start3A_6, %dma_start3A_8, %dma_start3A_9] : memref<2x128x128xf32, #tpu.memory_space<vmem>> -> memref<1x128x128xf32, #tpu.memory_space<vmem>>
    %dma_start3A_11 = tpu.memref_squeeze %dma_start3A_10 : memref<1x128x128xf32, #tpu.memory_space<vmem>> -> memref<128x128xf32, #tpu.memory_space<vmem>>
    %dma_start3A_12 = arith.constant 0 : i32
    %dma_start3A_13 = tpu.memref_slice %arg5[%dma_start3A, %dma_start3A_12] : memref<200x128xi32, #tpu.memory_space<vmem>> -> memref<1x128xi32, #tpu.memory_space<vmem>>
    %dma_start3A_14 = tpu.memref_squeeze %dma_start3A_13 : memref<1x128xi32, #tpu.memory_space<vmem>> -> memref<128xi32, #tpu.memory_space<vmem>>
    %dma_start3A_15 = arith.constant 0 : i32
    %dma_start3A_16 = arith.constant 0 : i32
    %dma_start3A_17 = tpu.memref_slice %arg3[%dma_start3A_15, %dma_start3A_16] : memref<1000000x128xf32, #tpu.memory_space<hbm>> -> memref<1000000x128xf32, #tpu.memory_space<hbm>>
    %dma_start3A_18 = tpu.memref_slice %arg8[%dma_start3A_7] : memref<2x!tpu.dma_semaphore, #tpu.memory_space<semaphore_mem>> -> memref<1x!tpu.dma_semaphore, #tpu.memory_space<semaphore_mem>>
    %dma_start3A_19 = tpu.memref_squeeze %dma_start3A_18 : memref<1x!tpu.dma_semaphore, #tpu.memory_space<semaphore_mem>> -> memref<!tpu.dma_semaphore, #tpu.memory_space<semaphore_mem>>
    tpu.enqueue_indirect_dma source(%dma_start3A_17 : memref<1000000x128xf32, #tpu.memory_space<hbm>>) target(%dma_start3A_11 : memref<128x128xf32, #tpu.memory_space<vmem>>) offsets(%dma_start3A_14 : memref<128xi32, #tpu.memory_space<vmem>>) semaphore(%dma_start3A_19 : memref<!tpu.dma_semaphore, #tpu.memory_space<semaphore_mem>>)
    %dma_start3A_20 = arith.constant 1 : i32
    %dma_start3A_21 = arith.constant 1 : i32
    %dma_start3A_22 = arith.constant 1 : i32
    %dma_start3A_23 = arith.constant 0 : i32
    %dma_start3A_24 = arith.constant 0 : i32
    %dma_start3A_25 = tpu.memref_slice %arg6[%dma_start3A_21, %dma_start3A_23, %dma_start3A_24] : memref<2x128x128xf32, #tpu.memory_space<vmem>> -> memref<1x128x128xf32, #tpu.memory_space<vmem>>
    %dma_start3A_26 = tpu.memref_squeeze %dma_start3A_25 : memref<1x128x128xf32, #tpu.memory_space<vmem>> -> memref<128x128xf32, #tpu.memory_space<vmem>>
    %dma_start3A_27 = arith.constant 0 : i32
    %dma_start3A_28 = tpu.memref_slice %arg5[%dma_start3A_20, %dma_start3A_27] : memref<200x128xi32, #tpu.memory_space<vmem>> -> memref<1x128xi32, #tpu.memory_space<vmem>>
    %dma_start3A_29 = tpu.memref_squeeze %dma_start3A_28 : memref<1x128xi32, #tpu.memory_space<vmem>> -> memref<128xi32, #tpu.memory_space<vmem>>
    %dma_start3A_30 = arith.constant 0 : i32
    %dma_start3A_31 = arith.constant 0 : i32
    %dma_start3A_32 = tpu.memref_slice %arg3[%dma_start3A_30, %dma_start3A_31] : memref<1000000x128xf32, #tpu.memory_space<hbm>> -> memref<1000000x128xf32, #tpu.memory_space<hbm>>
    %dma_start3A_33 = tpu.memref_slice %arg8[%dma_start3A_22] : memref<2x!tpu.dma_semaphore, #tpu.memory_space<semaphore_mem>> -> memref<1x!tpu.dma_semaphore, #tpu.memory_space<semaphore_mem>>
    %dma_start3A_34 = tpu.memref_squeeze %dma_start3A_33 : memref<1x!tpu.dma_semaphore, #tpu.memory_space<semaphore_mem>> -> memref<!tpu.dma_semaphore, #tpu.memory_space<semaphore_mem>>
    tpu.enqueue_indirect_dma source(%dma_start3A_32 : memref<1000000x128xf32, #tpu.memory_space<hbm>>) target(%dma_start3A_26 : memref<128x128xf32, #tpu.memory_space<vmem>>) offsets(%dma_start3A_29 : memref<128xi32, #tpu.memory_space<vmem>>) semaphore(%dma_start3A_34 : memref<!tpu.dma_semaphore, #tpu.memory_space<semaphore_mem>>)
    %dma_wait3A = arith.constant 0 : i32
    %dma_wait3A_35 = arith.constant 0 : i32
    %dma_wait3A_36 = arith.constant 0 : i32
    %dma_wait3A_37 = arith.constant 0 : i32
    %dma_wait3A_38 = arith.constant 0 : i32
    %dma_wait3A_39 = tpu.memref_slice %arg6[%dma_wait3A_35, %dma_wait3A_37, %dma_wait3A_38] : memref<2x128x128xf32, #tpu.memory_space<vmem>> -> memref<1x128x128xf32, #tpu.memory_space<vmem>>
    %dma_wait3A_40 = tpu.memref_squeeze %dma_wait3A_39 : memref<1x128x128xf32, #tpu.memory_space<vmem>> -> memref<128x128xf32, #tpu.memory_space<vmem>>
    %dma_wait3A_41 = arith.constant 0 : i32
    %dma_wait3A_42 = tpu.memref_slice %arg5[%dma_wait3A, %dma_wait3A_41] : memref<200x128xi32, #tpu.memory_space<vmem>> -> memref<1x128xi32, #tpu.memory_space<vmem>>
    %dma_wait3A_43 = tpu.memref_squeeze %dma_wait3A_42 : memref<1x128xi32, #tpu.memory_space<vmem>> -> memref<128xi32, #tpu.memory_space<vmem>>
    %dma_wait3A_44 = arith.constant 0 : i32
    %dma_wait3A_45 = arith.constant 0 : i32
    %dma_wait3A_46 = tpu.memref_slice %arg3[%dma_wait3A_44, %dma_wait3A_45] : memref<1000000x128xf32, #tpu.memory_space<hbm>> -> memref<1000000x128xf32, #tpu.memory_space<hbm>>
    %dma_wait3A_47 = tpu.memref_slice %arg8[%dma_wait3A_36] : memref<2x!tpu.dma_semaphore, #tpu.memory_space<semaphore_mem>> -> memref<1x!tpu.dma_semaphore, #tpu.memory_space<semaphore_mem>>
    %dma_wait3A_48 = tpu.memref_squeeze %dma_wait3A_47 : memref<1x!tpu.dma_semaphore, #tpu.memory_space<semaphore_mem>> -> memref<!tpu.dma_semaphore, #tpu.memory_space<semaphore_mem>>
    tpu.wait_indirect_dma semaphore(%dma_wait3A_48 : memref<!tpu.dma_semaphore, #tpu.memory_space<semaphore_mem>>) src(%dma_wait3A_46 : memref<1000000x128xf32, #tpu.memory_space<hbm>>) dst(%dma_wait3A_40 : memref<128x128xf32, #tpu.memory_space<vmem>>)
    %parallel_loop3A = arith.constant 0 : i32
    %parallel_loop3A_49 = arith.constant 8 : i32
    %parallel_loop3A_50 = arith.constant 1 : i32
    scf.for %parallel_loop3A_443 = %parallel_loop3A to %parallel_loop3A_49 step %parallel_loop3A_50  : i32 {
      %parallel_loop3A_444 = arith.constant 16 : i32
      %parallel_loop3A_445 = arith.muli %parallel_loop3A_443, %parallel_loop3A_444 : i32
      %parallel_loop3A_446 = vector.broadcast %parallel_loop3A_445 : i32 to vector<16xi32>
      %parallel_loop3A_447 = arith.addi %iota3A, %parallel_loop3A_446 : vector<16xi32>
      %parallel_loop3A_448 = arith.constant 0 : i32
      %parallel_loop3A_449 = arith.constant 16 : i32
      %parallel_loop3A_450 = arith.constant 1 : i32
      scf.for %parallel_loop3A_451 = %parallel_loop3A_448 to %parallel_loop3A_449 step %parallel_loop3A_450  : i32 {
        %parallel_loop3A_452 = vector.broadcast %parallel_loop3A_451 : i32 to vector<16xi32>
        %parallel_loop3A_453 = arith.addi %iota3A, %parallel_loop3A_452 : vector<16xi32>
        %parallel_loop3A_454 = arith.constant 15 : i32
        %parallel_loop3A_455 = vector.broadcast %parallel_loop3A_454 : i32 to vector<16xi32>
        %parallel_loop3A_456 = arith.andi %parallel_loop3A_453, %parallel_loop3A_455 : vector<16xi32>
        %parallel_loop3A_457 = arith.constant 3 : i32
        %parallel_loop3A_458 = vector.broadcast %parallel_loop3A_457 : i32 to vector<16xi32>
        %parallel_loop3A_459 = arith.shrui %parallel_loop3A_456, %parallel_loop3A_458 : vector<16xi32>
        %parallel_loop3A_460 = arith.constant 7 : i32
        %parallel_loop3A_461 = vector.broadcast %parallel_loop3A_460 : i32 to vector<16xi32>
        %parallel_loop3A_462 = arith.andi %parallel_loop3A_456, %parallel_loop3A_461 : vector<16xi32>
        %parallel_loop3A_463 = arith.constant 0 : i32
        %parallel_loop3A_464 = vector.broadcast %parallel_loop3A_463 : i32 to vector<16xi32>
        %parallel_loop3A_465 = arith.addi %parallel_loop3A_464, %parallel_loop3A_456 : vector<16xi32>
        %parallel_loop3A_466 = tpu.vector_load_idx %arg6[%broadcast_in_dim3A_3, %parallel_loop3A_447, %parallel_loop3A_465] : memref<2x128x128xf32, #tpu.memory_space<vmem>>[vector<16xi32>, vector<16xi32>, vector<16xi32>], vector<16xf32>,
        %parallel_loop3A_467 = arith.constant 8.000000e+00 : f32
        %parallel_loop3A_468 = vector.broadcast %parallel_loop3A_467 : f32 to vector<16xf32>
        %parallel_loop3A_469 = arith.mulf %parallel_loop3A_466, %parallel_loop3A_468 : vector<16xf32>
        %parallel_loop3A_470 = arith.constant 0 : i32
        %parallel_loop3A_471 = vector.broadcast %parallel_loop3A_470 : i32 to vector<16xi32>
        %parallel_loop3A_472 = arith.addi %parallel_loop3A_459, %parallel_loop3A_471 : vector<16xi32>
        tpu.vector_store_idx %arg7[%broadcast_in_dim3A_3, %parallel_loop3A_472, %parallel_loop3A_462, %parallel_loop3A_447], %parallel_loop3A_469 : memref<2x8x8x128xf32, #tpu.memory_space<vmem>>[vector<16xi32>, vector<16xi32>, vector<16xi32>, vector<16xi32>], vector<16xf32>,
        %parallel_loop3A_473 = arith.constant 16 : i32
        %parallel_loop3A_474 = vector.broadcast %parallel_loop3A_473 : i32 to vector<16xi32>
        %parallel_loop3A_475 = arith.addi %parallel_loop3A_474, %parallel_loop3A_456 : vector<16xi32>
        %parallel_loop3A_476 = tpu.vector_load_idx %arg6[%broadcast_in_dim3A_3, %parallel_loop3A_447, %parallel_loop3A_475] : memref<2x128x128xf32, #tpu.memory_space<vmem>>[vector<16xi32>, vector<16xi32>, vector<16xi32>], vector<16xf32>,
        %parallel_loop3A_477 = arith.constant 8.000000e+00 : f32
        %parallel_loop3A_478 = vector.broadcast %parallel_loop3A_477 : f32 to vector<16xf32>
        %parallel_loop3A_479 = arith.mulf %parallel_loop3A_476, %parallel_loop3A_478 : vector<16xf32>
        %parallel_loop3A_480 = arith.constant 2 : i32
        %parallel_loop3A_481 = vector.broadcast %parallel_loop3A_480 : i32 to vector<16xi32>
        %parallel_loop3A_482 = arith.addi %parallel_loop3A_459, %parallel_loop3A_481 : vector<16xi32>
        tpu.vector_store_idx %arg7[%broadcast_in_dim3A_3, %parallel_loop3A_482, %parallel_loop3A_462, %parallel_loop3A_447], %parallel_loop3A_479 : memref<2x8x8x128xf32, #tpu.memory_space<vmem>>[vector<16xi32>, vector<16xi32>, vector<16xi32>, vector<16xi32>], vector<16xf32>,
        %parallel_loop3A_483 = arith.constant 32 : i32
        %parallel_loop3A_484 = vector.broadcast %parallel_loop3A_483 : i32 to vector<16xi32>
        %parallel_loop3A_485 = arith.addi %parallel_loop3A_484, %parallel_loop3A_456 : vector<16xi32>
        %parallel_loop3A_486 = tpu.vector_load_idx %arg6[%broadcast_in_dim3A_3, %parallel_loop3A_447, %parallel_loop3A_485] : memref<2x128x128xf32, #tpu.memory_space<vmem>>[vector<16xi32>, vector<16xi32>, vector<16xi32>], vector<16xf32>,
        %parallel_loop3A_487 = arith.constant 8.000000e+00 : f32
        %parallel_loop3A_488 = vector.broadcast %parallel_loop3A_487 : f32 to vector<16xf32>
        %parallel_loop3A_489 = arith.mulf %parallel_loop3A_486, %parallel_loop3A_488 : vector<16xf32>
        %parallel_loop3A_490 = arith.constant 4 : i32
        %parallel_loop3A_491 = vector.broadcast %parallel_loop3A_490 : i32 to vector<16xi32>
        %parallel_loop3A_492 = arith.addi %parallel_loop3A_459, %parallel_loop3A_491 : vector<16xi32>
        tpu.vector_store_idx %arg7[%broadcast_in_dim3A_3, %parallel_loop3A_492, %parallel_loop3A_462, %parallel_loop3A_447], %parallel_loop3A_489 : memref<2x8x8x128xf32, #tpu.memory_space<vmem>>[vector<16xi32>, vector<16xi32>, vector<16xi32>, vector<16xi32>], vector<16xf32>,
        %parallel_loop3A_493 = arith.constant 48 : i32
        %parallel_loop3A_494 = vector.broadcast %parallel_loop3A_493 : i32 to vector<16xi32>
        %parallel_loop3A_495 = arith.addi %parallel_loop3A_494, %parallel_loop3A_456 : vector<16xi32>
        %parallel_loop3A_496 = tpu.vector_load_idx %arg6[%broadcast_in_dim3A_3, %parallel_loop3A_447, %parallel_loop3A_495] : memref<2x128x128xf32, #tpu.memory_space<vmem>>[vector<16xi32>, vector<16xi32>, vector<16xi32>], vector<16xf32>,
        %parallel_loop3A_497 = arith.constant 8.000000e+00 : f32
        %parallel_loop3A_498 = vector.broadcast %parallel_loop3A_497 : f32 to vector<16xf32>
        %parallel_loop3A_499 = arith.mulf %parallel_loop3A_496, %parallel_loop3A_498 : vector<16xf32>
        %parallel_loop3A_500 = arith.constant 6 : i32
        %parallel_loop3A_501 = vector.broadcast %parallel_loop3A_500 : i32 to vector<16xi32>
        %parallel_loop3A_502 = arith.addi %parallel_loop3A_459, %parallel_loop3A_501 : vector<16xi32>
        tpu.vector_store_idx %arg7[%broadcast_in_dim3A_3, %parallel_loop3A_502, %parallel_loop3A_462, %parallel_loop3A_447], %parallel_loop3A_499 : memref<2x8x8x128xf32, #tpu.memory_space<vmem>>[vector<16xi32>, vector<16xi32>, vector<16xi32>, vector<16xi32>], vector<16xf32>,
      } {sc.loop_unroll_factor = 2 : i64, sc.parallel_access}
    } {sc.loop_unroll_factor = 1 : i64, sc.parallel_access}
    %add3A_51 = arith.constant 0 : i32
    %add3A_52 = arith.addi %mul3A_2, %add3A_51 : i32
    %jit3A = arith.constant 32 : i32
    %div3A = arith.divsi %add3A_52, %jit3A : i32
    %sign3A = arith.constant 0 : i32
    %sign3A_53 = arith.cmpi sgt, %add3A_52, %sign3A : i32
    %sign3A_54 = arith.extui %sign3A_53 : i1 to i32
    %sign3A_55 = arith.constant 0 : i32
    %sign3A_56 = arith.cmpi slt, %add3A_52, %sign3A_55 : i32
    %sign3A_57 = arith.extui %sign3A_56 : i1 to i32
    %sign3A_58 = arith.subi %sign3A_54, %sign3A_57 : i32
    %sign3A_59 = arith.constant 0 : i32
    %sign3A_60 = arith.cmpi sgt, %jit3A, %sign3A_59 : i32
    %sign3A_61 = arith.extui %sign3A_60 : i1 to i32
    %sign3A_62 = arith.constant 0 : i32
    %sign3A_63 = arith.cmpi slt, %jit3A, %sign3A_62 : i32
    %sign3A_64 = arith.extui %sign3A_63 : i1 to i32
    %sign3A_65 = arith.subi %sign3A_61, %sign3A_64 : i32
    %ne3A = arith.cmpi ne, %sign3A_58, %sign3A_65 : i32
    %rem3A = arith.remsi %add3A_52, %jit3A : i32
    %ne3A_66 = arith.constant 0 : i32
    %ne3A_67 = arith.cmpi ne, %rem3A, %ne3A_66 : i32
    %and3A = arith.andi %ne3A, %ne3A_67 : i1
    %sub3A = arith.constant 1 : i32
    %sub3A_68 = arith.subi %div3A, %sub3A : i32
    %select_n3A = arith.select %and3A, %sub3A_68, %div3A : i32
    %rem3A_69 = arith.constant 32 : i32
    %rem3A_70 = arith.remsi %add3A_52, %rem3A_69 : i32
    %dma_start3A_71 = arith.constant 0 : i32
    %dma_start3A_72 = arith.constant 0 : i32
    %dma_start3A_73 = arith.constant 0 : i32
    %dma_start3A_74 = arith.constant 0 : i32
    %dma_start3A_75 = arith.constant 0 : i32
    %dma_start3A_76 = tpu.memref_slice %arg7[%dma_start3A_71, %dma_start3A_73, %dma_start3A_74, %dma_start3A_75] : memref<2x8x8x128xf32, #tpu.memory_space<vmem>> -> memref<1x8x8x128xf32, #tpu.memory_space<vmem>>
    %dma_start3A_77 = tpu.memref_squeeze %dma_start3A_76 : memref<1x8x8x128xf32, #tpu.memory_space<vmem>> -> memref<8x8x128xf32, #tpu.memory_space<vmem>>
    %dma_start3A_78 = arith.constant 0 : i32
    %dma_start3A_79 = arith.constant 0 : i32
    %dma_start3A_80 = arith.constant 0 : i32
    %dma_start3A_81 = tpu.memref_slice %arg4[%select_n3A, %dma_start3A_78, %rem3A_70, %dma_start3A_79, %dma_start3A_80] : memref<200x8x32x8x128xf32, #tpu.memory_space<hbm>> -> memref<1x8x1x8x128xf32, #tpu.memory_space<hbm>>
    %dma_start3A_82 = tpu.memref_squeeze %dma_start3A_81 : memref<1x8x1x8x128xf32, #tpu.memory_space<hbm>> -> memref<8x8x128xf32, #tpu.memory_space<hbm>>
    %dma_start3A_83 = tpu.memref_slice %arg9[%dma_start3A_72] : memref<2x!tpu.dma_semaphore, #tpu.memory_space<semaphore_mem>> -> memref<1x!tpu.dma_semaphore, #tpu.memory_space<semaphore_mem>>
    %dma_start3A_84 = tpu.memref_squeeze %dma_start3A_83 : memref<1x!tpu.dma_semaphore, #tpu.memory_space<semaphore_mem>> -> memref<!tpu.dma_semaphore, #tpu.memory_space<semaphore_mem>>
    %dma_start3A_85 = arith.constant 0 : i32
    %dma_start3A_86 = arith.constant 0 : i32
    %dma_start3A_87 = arith.constant 0 : i32
    %dma_start3A_88 = tpu.memref_slice %arg4[%select_n3A, %dma_start3A_85, %rem3A_70, %dma_start3A_86, %dma_start3A_87] : memref<200x8x32x8x128xf32, #tpu.memory_space<hbm>> -> memref<1x8x1x8x128xf32, #tpu.memory_space<hbm>>
    %dma_start3A_89 = tpu.memref_squeeze %dma_start3A_88 : memref<1x8x1x8x128xf32, #tpu.memory_space<hbm>> -> memref<8x8x128xf32, #tpu.memory_space<hbm>>
    %dma_start3A_90 = arith.constant 0 : i32
    %dma_start3A_91 = arith.constant 0 : i32
    %dma_start3A_92 = arith.constant 0 : i32
    %dma_start3A_93 = tpu.memref_slice %arg7[%dma_start3A_71, %dma_start3A_90, %dma_start3A_91, %dma_start3A_92] : memref<2x8x8x128xf32, #tpu.memory_space<vmem>> -> memref<1x8x8x128xf32, #tpu.memory_space<vmem>>
    %dma_start3A_94 = tpu.memref_squeeze %dma_start3A_93 : memref<1x8x8x128xf32, #tpu.memory_space<vmem>> -> memref<8x8x128xf32, #tpu.memory_space<vmem>>
    tpu.enqueue_dma source(%dma_start3A_94 : memref<8x8x128xf32, #tpu.memory_space<vmem>>) target(%dma_start3A_89 : memref<8x8x128xf32, #tpu.memory_space<hbm>>) target_semaphore(%dma_start3A_84 : memref<!tpu.dma_semaphore, #tpu.memory_space<semaphore_mem>>)
    %dma_start3A_95 = arith.constant 2 : i32
    %dma_start3A_96 = arith.constant 0 : i32
    %dma_start3A_97 = arith.constant 0 : i32
    %dma_start3A_98 = arith.constant 0 : i32
    %dma_start3A_99 = arith.constant 0 : i32
    %dma_start3A_100 = tpu.memref_slice %arg6[%dma_start3A_96, %dma_start3A_98, %dma_start3A_99] : memref<2x128x128xf32, #tpu.memory_space<vmem>> -> memref<1x128x128xf32, #tpu.memory_space<vmem>>
    %dma_start3A_101 = tpu.memref_squeeze %dma_start3A_100 : memref<1x128x128xf32, #tpu.memory_space<vmem>> -> memref<128x128xf32, #tpu.memory_space<vmem>>
    %dma_start3A_102 = arith.constant 0 : i32
    %dma_start3A_103 = tpu.memref_slice %arg5[%dma_start3A_95, %dma_start3A_102] : memref<200x128xi32, #tpu.memory_space<vmem>> -> memref<1x128xi32, #tpu.memory_space<vmem>>
    %dma_start3A_104 = tpu.memref_squeeze %dma_start3A_103 : memref<1x128xi32, #tpu.memory_space<vmem>> -> memref<128xi32, #tpu.memory_space<vmem>>
    %dma_start3A_105 = arith.constant 0 : i32
    %dma_start3A_106 = arith.constant 0 : i32
    %dma_start3A_107 = tpu.memref_slice %arg3[%dma_start3A_105, %dma_start3A_106] : memref<1000000x128xf32, #tpu.memory_space<hbm>> -> memref<1000000x128xf32, #tpu.memory_space<hbm>>
    %dma_start3A_108 = tpu.memref_slice %arg8[%dma_start3A_97] : memref<2x!tpu.dma_semaphore, #tpu.memory_space<semaphore_mem>> -> memref<1x!tpu.dma_semaphore, #tpu.memory_space<semaphore_mem>>
    %dma_start3A_109 = tpu.memref_squeeze %dma_start3A_108 : memref<1x!tpu.dma_semaphore, #tpu.memory_space<semaphore_mem>> -> memref<!tpu.dma_semaphore, #tpu.memory_space<semaphore_mem>>
    tpu.enqueue_indirect_dma source(%dma_start3A_107 : memref<1000000x128xf32, #tpu.memory_space<hbm>>) target(%dma_start3A_101 : memref<128x128xf32, #tpu.memory_space<vmem>>) offsets(%dma_start3A_104 : memref<128xi32, #tpu.memory_space<vmem>>) semaphore(%dma_start3A_109 : memref<!tpu.dma_semaphore, #tpu.memory_space<semaphore_mem>>)
    %dma_wait3A_110 = arith.constant 0 : i32
    %dma_wait3A_111 = arith.constant 1 : i32
    %dma_wait3A_112 = arith.constant 1 : i32
    %dma_wait3A_113 = arith.constant 0 : i32
    %dma_wait3A_114 = arith.constant 0 : i32
    %dma_wait3A_115 = tpu.memref_slice %arg6[%dma_wait3A_111, %dma_wait3A_113, %dma_wait3A_114] : memref<2x128x128xf32, #tpu.memory_space<vmem>> -> memref<1x128x128xf32, #tpu.memory_space<vmem>>
    %dma_wait3A_116 = tpu.memref_squeeze %dma_wait3A_115 : memref<1x128x128xf32, #tpu.memory_space<vmem>> -> memref<128x128xf32, #tpu.memory_space<vmem>>
    %dma_wait3A_117 = arith.constant 0 : i32
    %dma_wait3A_118 = tpu.memref_slice %arg5[%dma_wait3A_110, %dma_wait3A_117] : memref<200x128xi32, #tpu.memory_space<vmem>> -> memref<1x128xi32, #tpu.memory_space<vmem>>
    %dma_wait3A_119 = tpu.memref_squeeze %dma_wait3A_118 : memref<1x128xi32, #tpu.memory_space<vmem>> -> memref<128xi32, #tpu.memory_space<vmem>>
    %dma_wait3A_120 = arith.constant 0 : i32
    %dma_wait3A_121 = arith.constant 0 : i32
    %dma_wait3A_122 = tpu.memref_slice %arg3[%dma_wait3A_120, %dma_wait3A_121] : memref<1000000x128xf32, #tpu.memory_space<hbm>> -> memref<1000000x128xf32, #tpu.memory_space<hbm>>
    %dma_wait3A_123 = tpu.memref_slice %arg8[%dma_wait3A_112] : memref<2x!tpu.dma_semaphore, #tpu.memory_space<semaphore_mem>> -> memref<1x!tpu.dma_semaphore, #tpu.memory_space<semaphore_mem>>
    %dma_wait3A_124 = tpu.memref_squeeze %dma_wait3A_123 : memref<1x!tpu.dma_semaphore, #tpu.memory_space<semaphore_mem>> -> memref<!tpu.dma_semaphore, #tpu.memory_space<semaphore_mem>>
    tpu.wait_indirect_dma semaphore(%dma_wait3A_124 : memref<!tpu.dma_semaphore, #tpu.memory_space<semaphore_mem>>) src(%dma_wait3A_122 : memref<1000000x128xf32, #tpu.memory_space<hbm>>) dst(%dma_wait3A_116 : memref<128x128xf32, #tpu.memory_space<vmem>>)
    %parallel_loop3A_125 = arith.constant 0 : i32
    %parallel_loop3A_126 = arith.constant 8 : i32
    %parallel_loop3A_127 = arith.constant 1 : i32
    scf.for %parallel_loop3A_443 = %parallel_loop3A_125 to %parallel_loop3A_126 step %parallel_loop3A_127  : i32 {
      %parallel_loop3A_444 = arith.constant 16 : i32
      %parallel_loop3A_445 = arith.muli %parallel_loop3A_443, %parallel_loop3A_444 : i32
      %parallel_loop3A_446 = vector.broadcast %parallel_loop3A_445 : i32 to vector<16xi32>
      %parallel_loop3A_447 = arith.addi %iota3A, %parallel_loop3A_446 : vector<16xi32>
      %parallel_loop3A_448 = arith.constant 0 : i32
      %parallel_loop3A_449 = arith.constant 16 : i32
      %parallel_loop3A_450 = arith.constant 1 : i32
      scf.for %parallel_loop3A_451 = %parallel_loop3A_448 to %parallel_loop3A_449 step %parallel_loop3A_450  : i32 {
        %parallel_loop3A_452 = vector.broadcast %parallel_loop3A_451 : i32 to vector<16xi32>
        %parallel_loop3A_453 = arith.addi %iota3A, %parallel_loop3A_452 : vector<16xi32>
        %parallel_loop3A_454 = arith.constant 15 : i32
        %parallel_loop3A_455 = vector.broadcast %parallel_loop3A_454 : i32 to vector<16xi32>
        %parallel_loop3A_456 = arith.andi %parallel_loop3A_453, %parallel_loop3A_455 : vector<16xi32>
        %parallel_loop3A_457 = arith.constant 3 : i32
        %parallel_loop3A_458 = vector.broadcast %parallel_loop3A_457 : i32 to vector<16xi32>
        %parallel_loop3A_459 = arith.shrui %parallel_loop3A_456, %parallel_loop3A_458 : vector<16xi32>
        %parallel_loop3A_460 = arith.constant 7 : i32
        %parallel_loop3A_461 = vector.broadcast %parallel_loop3A_460 : i32 to vector<16xi32>
        %parallel_loop3A_462 = arith.andi %parallel_loop3A_456, %parallel_loop3A_461 : vector<16xi32>
        %parallel_loop3A_463 = arith.constant 0 : i32
        %parallel_loop3A_464 = vector.broadcast %parallel_loop3A_463 : i32 to vector<16xi32>
        %parallel_loop3A_465 = arith.addi %parallel_loop3A_464, %parallel_loop3A_456 : vector<16xi32>
        %parallel_loop3A_466 = tpu.vector_load_idx %arg6[%broadcast_in_dim3A_5, %parallel_loop3A_447, %parallel_loop3A_465] : memref<2x128x128xf32, #tpu.memory_space<vmem>>[vector<16xi32>, vector<16xi32>, vector<16xi32>], vector<16xf32>,
        %parallel_loop3A_467 = arith.constant 8.000000e+00 : f32
        %parallel_loop3A_468 = vector.broadcast %parallel_loop3A_467 : f32 to vector<16xf32>
        %parallel_loop3A_469 = arith.mulf %parallel_loop3A_466, %parallel_loop3A_468 : vector<16xf32>
        %parallel_loop3A_470 = arith.constant 0 : i32
        %parallel_loop3A_471 = vector.broadcast %parallel_loop3A_470 : i32 to vector<16xi32>
        %parallel_loop3A_472 = arith.addi %parallel_loop3A_459, %parallel_loop3A_471 : vector<16xi32>
        tpu.vector_store_idx %arg7[%broadcast_in_dim3A_5, %parallel_loop3A_472, %parallel_loop3A_462, %parallel_loop3A_447], %parallel_loop3A_469 : memref<2x8x8x128xf32, #tpu.memory_space<vmem>>[vector<16xi32>, vector<16xi32>, vector<16xi32>, vector<16xi32>], vector<16xf32>,
        %parallel_loop3A_473 = arith.constant 16 : i32
        %parallel_loop3A_474 = vector.broadcast %parallel_loop3A_473 : i32 to vector<16xi32>
        %parallel_loop3A_475 = arith.addi %parallel_loop3A_474, %parallel_loop3A_456 : vector<16xi32>
        %parallel_loop3A_476 = tpu.vector_load_idx %arg6[%broadcast_in_dim3A_5, %parallel_loop3A_447, %parallel_loop3A_475] : memref<2x128x128xf32, #tpu.memory_space<vmem>>[vector<16xi32>, vector<16xi32>, vector<16xi32>], vector<16xf32>,
        %parallel_loop3A_477 = arith.constant 8.000000e+00 : f32
        %parallel_loop3A_478 = vector.broadcast %parallel_loop3A_477 : f32 to vector<16xf32>
        %parallel_loop3A_479 = arith.mulf %parallel_loop3A_476, %parallel_loop3A_478 : vector<16xf32>
        %parallel_loop3A_480 = arith.constant 2 : i32
        %parallel_loop3A_481 = vector.broadcast %parallel_loop3A_480 : i32 to vector<16xi32>
        %parallel_loop3A_482 = arith.addi %parallel_loop3A_459, %parallel_loop3A_481 : vector<16xi32>
        tpu.vector_store_idx %arg7[%broadcast_in_dim3A_5, %parallel_loop3A_482, %parallel_loop3A_462, %parallel_loop3A_447], %parallel_loop3A_479 : memref<2x8x8x128xf32, #tpu.memory_space<vmem>>[vector<16xi32>, vector<16xi32>, vector<16xi32>, vector<16xi32>], vector<16xf32>,
        %parallel_loop3A_483 = arith.constant 32 : i32
        %parallel_loop3A_484 = vector.broadcast %parallel_loop3A_483 : i32 to vector<16xi32>
        %parallel_loop3A_485 = arith.addi %parallel_loop3A_484, %parallel_loop3A_456 : vector<16xi32>
        %parallel_loop3A_486 = tpu.vector_load_idx %arg6[%broadcast_in_dim3A_5, %parallel_loop3A_447, %parallel_loop3A_485] : memref<2x128x128xf32, #tpu.memory_space<vmem>>[vector<16xi32>, vector<16xi32>, vector<16xi32>], vector<16xf32>,
        %parallel_loop3A_487 = arith.constant 8.000000e+00 : f32
        %parallel_loop3A_488 = vector.broadcast %parallel_loop3A_487 : f32 to vector<16xf32>
        %parallel_loop3A_489 = arith.mulf %parallel_loop3A_486, %parallel_loop3A_488 : vector<16xf32>
        %parallel_loop3A_490 = arith.constant 4 : i32
        %parallel_loop3A_491 = vector.broadcast %parallel_loop3A_490 : i32 to vector<16xi32>
        %parallel_loop3A_492 = arith.addi %parallel_loop3A_459, %parallel_loop3A_491 : vector<16xi32>
        tpu.vector_store_idx %arg7[%broadcast_in_dim3A_5, %parallel_loop3A_492, %parallel_loop3A_462, %parallel_loop3A_447], %parallel_loop3A_489 : memref<2x8x8x128xf32, #tpu.memory_space<vmem>>[vector<16xi32>, vector<16xi32>, vector<16xi32>, vector<16xi32>], vector<16xf32>,
        %parallel_loop3A_493 = arith.constant 48 : i32
        %parallel_loop3A_494 = vector.broadcast %parallel_loop3A_493 : i32 to vector<16xi32>
        %parallel_loop3A_495 = arith.addi %parallel_loop3A_494, %parallel_loop3A_456 : vector<16xi32>
        %parallel_loop3A_496 = tpu.vector_load_idx %arg6[%broadcast_in_dim3A_5, %parallel_loop3A_447, %parallel_loop3A_495] : memref<2x128x128xf32, #tpu.memory_space<vmem>>[vector<16xi32>, vector<16xi32>, vector<16xi32>], vector<16xf32>,
        %parallel_loop3A_497 = arith.constant 8.000000e+00 : f32
        %parallel_loop3A_498 = vector.broadcast %parallel_loop3A_497 : f32 to vector<16xf32>
        %parallel_loop3A_499 = arith.mulf %parallel_loop3A_496, %parallel_loop3A_498 : vector<16xf32>
        %parallel_loop3A_500 = arith.constant 6 : i32
        %parallel_loop3A_501 = vector.broadcast %parallel_loop3A_500 : i32 to vector<16xi32>
        %parallel_loop3A_502 = arith.addi %parallel_loop3A_459, %parallel_loop3A_501 : vector<16xi32>
        tpu.vector_store_idx %arg7[%broadcast_in_dim3A_5, %parallel_loop3A_502, %parallel_loop3A_462, %parallel_loop3A_447], %parallel_loop3A_499 : memref<2x8x8x128xf32, #tpu.memory_space<vmem>>[vector<16xi32>, vector<16xi32>, vector<16xi32>, vector<16xi32>], vector<16xf32>,
      } {sc.loop_unroll_factor = 2 : i64, sc.parallel_access}
    } {sc.loop_unroll_factor = 1 : i64, sc.parallel_access}
    %add3A_128 = arith.constant 1 : i32
    %add3A_129 = arith.addi %mul3A_2, %add3A_128 : i32
    %jit3A_130 = arith.constant 32 : i32
    %div3A_131 = arith.divsi %add3A_129, %jit3A_130 : i32
    %sign3A_132 = arith.constant 0 : i32
    %sign3A_133 = arith.cmpi sgt, %add3A_129, %sign3A_132 : i32
    %sign3A_134 = arith.extui %sign3A_133 : i1 to i32
    %sign3A_135 = arith.constant 0 : i32
    %sign3A_136 = arith.cmpi slt, %add3A_129, %sign3A_135 : i32
    %sign3A_137 = arith.extui %sign3A_136 : i1 to i32
    %sign3A_138 = arith.subi %sign3A_134, %sign3A_137 : i32
    %sign3A_139 = arith.constant 0 : i32
    %sign3A_140 = arith.cmpi sgt, %jit3A_130, %sign3A_139 : i32
    %sign3A_141 = arith.extui %sign3A_140 : i1 to i32
    %sign3A_142 = arith.constant 0 : i32
    %sign3A_143 = arith.cmpi slt, %jit3A_130, %sign3A_142 : i32
    %sign3A_144 = arith.extui %sign3A_143 : i1 to i32
    %sign3A_145 = arith.subi %sign3A_141, %sign3A_144 : i32
    %ne3A_146 = arith.cmpi ne, %sign3A_138, %sign3A_145 : i32
    %rem3A_147 = arith.remsi %add3A_129, %jit3A_130 : i32
    %ne3A_148 = arith.constant 0 : i32
    %ne3A_149 = arith.cmpi ne, %rem3A_147, %ne3A_148 : i32
    %and3A_150 = arith.andi %ne3A_146, %ne3A_149 : i1
    %sub3A_151 = arith.constant 1 : i32
    %sub3A_152 = arith.subi %div3A_131, %sub3A_151 : i32
    %select_n3A_153 = arith.select %and3A_150, %sub3A_152, %div3A_131 : i32
    %rem3A_154 = arith.constant 32 : i32
    %rem3A_155 = arith.remsi %add3A_129, %rem3A_154 : i32
    %dma_start3A_156 = arith.constant 1 : i32
    %dma_start3A_157 = arith.constant 1 : i32
    %dma_start3A_158 = arith.constant 0 : i32
    %dma_start3A_159 = arith.constant 0 : i32
    %dma_start3A_160 = arith.constant 0 : i32
    %dma_start3A_161 = tpu.memref_slice %arg7[%dma_start3A_156, %dma_start3A_158, %dma_start3A_159, %dma_start3A_160] : memref<2x8x8x128xf32, #tpu.memory_space<vmem>> -> memref<1x8x8x128xf32, #tpu.memory_space<vmem>>
    %dma_start3A_162 = tpu.memref_squeeze %dma_start3A_161 : memref<1x8x8x128xf32, #tpu.memory_space<vmem>> -> memref<8x8x128xf32, #tpu.memory_space<vmem>>
    %dma_start3A_163 = arith.constant 0 : i32
    %dma_start3A_164 = arith.constant 0 : i32
    %dma_start3A_165 = arith.constant 0 : i32
    %dma_start3A_166 = tpu.memref_slice %arg4[%select_n3A_153, %dma_start3A_163, %rem3A_155, %dma_start3A_164, %dma_start3A_165] : memref<200x8x32x8x128xf32, #tpu.memory_space<hbm>> -> memref<1x8x1x8x128xf32, #tpu.memory_space<hbm>>
    %dma_start3A_167 = tpu.memref_squeeze %dma_start3A_166 : memref<1x8x1x8x128xf32, #tpu.memory_space<hbm>> -> memref<8x8x128xf32, #tpu.memory_space<hbm>>
    %dma_start3A_168 = tpu.memref_slice %arg9[%dma_start3A_157] : memref<2x!tpu.dma_semaphore, #tpu.memory_space<semaphore_mem>> -> memref<1x!tpu.dma_semaphore, #tpu.memory_space<semaphore_mem>>
    %dma_start3A_169 = tpu.memref_squeeze %dma_start3A_168 : memref<1x!tpu.dma_semaphore, #tpu.memory_space<semaphore_mem>> -> memref<!tpu.dma_semaphore, #tpu.memory_space<semaphore_mem>>
    %dma_start3A_170 = arith.constant 0 : i32
    %dma_start3A_171 = arith.constant 0 : i32
    %dma_start3A_172 = arith.constant 0 : i32
    %dma_start3A_173 = tpu.memref_slice %arg4[%select_n3A_153, %dma_start3A_170, %rem3A_155, %dma_start3A_171, %dma_start3A_172] : memref<200x8x32x8x128xf32, #tpu.memory_space<hbm>> -> memref<1x8x1x8x128xf32, #tpu.memory_space<hbm>>
    %dma_start3A_174 = tpu.memref_squeeze %dma_start3A_173 : memref<1x8x1x8x128xf32, #tpu.memory_space<hbm>> -> memref<8x8x128xf32, #tpu.memory_space<hbm>>
    %dma_start3A_175 = arith.constant 0 : i32
    %dma_start3A_176 = arith.constant 0 : i32
    %dma_start3A_177 = arith.constant 0 : i32
    %dma_start3A_178 = tpu.memref_slice %arg7[%dma_start3A_156, %dma_start3A_175, %dma_start3A_176, %dma_start3A_177] : memref<2x8x8x128xf32, #tpu.memory_space<vmem>> -> memref<1x8x8x128xf32, #tpu.memory_space<vmem>>
    %dma_start3A_179 = tpu.memref_squeeze %dma_start3A_178 : memref<1x8x8x128xf32, #tpu.memory_space<vmem>> -> memref<8x8x128xf32, #tpu.memory_space<vmem>>
    tpu.enqueue_dma source(%dma_start3A_179 : memref<8x8x128xf32, #tpu.memory_space<vmem>>) target(%dma_start3A_174 : memref<8x8x128xf32, #tpu.memory_space<hbm>>) target_semaphore(%dma_start3A_169 : memref<!tpu.dma_semaphore, #tpu.memory_space<semaphore_mem>>)
    %dma_start3A_180 = arith.constant 3 : i32
    %dma_start3A_181 = arith.constant 1 : i32
    %dma_start3A_182 = arith.constant 1 : i32
    %dma_start3A_183 = arith.constant 0 : i32
    %dma_start3A_184 = arith.constant 0 : i32
    %dma_start3A_185 = tpu.memref_slice %arg6[%dma_start3A_181, %dma_start3A_183, %dma_start3A_184] : memref<2x128x128xf32, #tpu.memory_space<vmem>> -> memref<1x128x128xf32, #tpu.memory_space<vmem>>
    %dma_start3A_186 = tpu.memref_squeeze %dma_start3A_185 : memref<1x128x128xf32, #tpu.memory_space<vmem>> -> memref<128x128xf32, #tpu.memory_space<vmem>>
    %dma_start3A_187 = arith.constant 0 : i32
    %dma_start3A_188 = tpu.memref_slice %arg5[%dma_start3A_180, %dma_start3A_187] : memref<200x128xi32, #tpu.memory_space<vmem>> -> memref<1x128xi32, #tpu.memory_space<vmem>>
    %dma_start3A_189 = tpu.memref_squeeze %dma_start3A_188 : memref<1x128xi32, #tpu.memory_space<vmem>> -> memref<128xi32, #tpu.memory_space<vmem>>
    %dma_start3A_190 = arith.constant 0 : i32
    %dma_start3A_191 = arith.constant 0 : i32
    %dma_start3A_192 = tpu.memref_slice %arg3[%dma_start3A_190, %dma_start3A_191] : memref<1000000x128xf32, #tpu.memory_space<hbm>> -> memref<1000000x128xf32, #tpu.memory_space<hbm>>
    %dma_start3A_193 = tpu.memref_slice %arg8[%dma_start3A_182] : memref<2x!tpu.dma_semaphore, #tpu.memory_space<semaphore_mem>> -> memref<1x!tpu.dma_semaphore, #tpu.memory_space<semaphore_mem>>
    %dma_start3A_194 = tpu.memref_squeeze %dma_start3A_193 : memref<1x!tpu.dma_semaphore, #tpu.memory_space<semaphore_mem>> -> memref<!tpu.dma_semaphore, #tpu.memory_space<semaphore_mem>>
    tpu.enqueue_indirect_dma source(%dma_start3A_192 : memref<1000000x128xf32, #tpu.memory_space<hbm>>) target(%dma_start3A_186 : memref<128x128xf32, #tpu.memory_space<vmem>>) offsets(%dma_start3A_189 : memref<128xi32, #tpu.memory_space<vmem>>) semaphore(%dma_start3A_194 : memref<!tpu.dma_semaphore, #tpu.memory_space<semaphore_mem>>)
    %scan3A = arith.constant 0 : i32
    %scan3A_195 = arith.constant 98 : i32
    %scan3A_196 = arith.addi %scan3A, %scan3A_195 : i32
    %scan3A_197 = arith.constant 1 : i32
    scf.for %scan3A_443 = %scan3A to %scan3A_196 step %scan3A_197  : i32 {
      %mul3A_444 = arith.constant 2 : i32
      %mul3A_445 = arith.muli %scan3A_443, %mul3A_444 : i32
      %add3A_446 = arith.constant 2 : i32
      %add3A_447 = arith.addi %add3A_446, %mul3A_445 : i32
      %dma_wait3A_448 = arith.constant 0 : i32
      %dma_wait3A_449 = arith.constant 0 : i32
      %dma_wait3A_450 = arith.constant 0 : i32
      %dma_wait3A_451 = arith.constant 0 : i32
      %dma_wait3A_452 = arith.constant 0 : i32
      %dma_wait3A_453 = arith.constant 0 : i32
      %dma_wait3A_454 = arith.constant 0 : i32
      %dma_wait3A_455 = tpu.memref_slice %arg7[%dma_wait3A_448, %dma_wait3A_452, %dma_wait3A_453, %dma_wait3A_454] : memref<2x8x8x128xf32, #tpu.memory_space<vmem>> -> memref<1x8x8x128xf32, #tpu.memory_space<vmem>>
      %dma_wait3A_456 = tpu.memref_squeeze %dma_wait3A_455 : memref<1x8x8x128xf32, #tpu.memory_space<vmem>> -> memref<8x8x128xf32, #tpu.memory_space<vmem>>
      %dma_wait3A_457 = arith.constant 0 : i32
      %dma_wait3A_458 = arith.constant 0 : i32
      %dma_wait3A_459 = arith.constant 0 : i32
      %dma_wait3A_460 = tpu.memref_slice %arg4[%dma_wait3A_449, %dma_wait3A_457, %dma_wait3A_450, %dma_wait3A_458, %dma_wait3A_459] : memref<200x8x32x8x128xf32, #tpu.memory_space<hbm>> -> memref<1x8x1x8x128xf32, #tpu.memory_space<hbm>>
      %dma_wait3A_461 = tpu.memref_squeeze %dma_wait3A_460 : memref<1x8x1x8x128xf32, #tpu.memory_space<hbm>> -> memref<8x8x128xf32, #tpu.memory_space<hbm>>
      %dma_wait3A_462 = tpu.memref_slice %arg9[%dma_wait3A_451] : memref<2x!tpu.dma_semaphore, #tpu.memory_space<semaphore_mem>> -> memref<1x!tpu.dma_semaphore, #tpu.memory_space<semaphore_mem>>
      %dma_wait3A_463 = tpu.memref_squeeze %dma_wait3A_462 : memref<1x!tpu.dma_semaphore, #tpu.memory_space<semaphore_mem>> -> memref<!tpu.dma_semaphore, #tpu.memory_space<semaphore_mem>>
      %dma_wait3A_464 = arith.constant 0 : i32
      %dma_wait3A_465 = arith.constant 0 : i32
      %dma_wait3A_466 = arith.constant 0 : i32
      %dma_wait3A_467 = tpu.memref_slice %arg4[%dma_wait3A_449, %dma_wait3A_464, %dma_wait3A_450, %dma_wait3A_465, %dma_wait3A_466] : memref<200x8x32x8x128xf32, #tpu.memory_space<hbm>> -> memref<1x8x1x8x128xf32, #tpu.memory_space<hbm>>
      %dma_wait3A_468 = tpu.memref_squeeze %dma_wait3A_467 : memref<1x8x1x8x128xf32, #tpu.memory_space<hbm>> -> memref<8x8x128xf32, #tpu.memory_space<hbm>>
      %dma_wait3A_469 = arith.constant 0 : i32
      %dma_wait3A_470 = arith.constant 0 : i32
      %dma_wait3A_471 = arith.constant 0 : i32
      %dma_wait3A_472 = tpu.memref_slice %arg7[%dma_wait3A_448, %dma_wait3A_469, %dma_wait3A_470, %dma_wait3A_471] : memref<2x8x8x128xf32, #tpu.memory_space<vmem>> -> memref<1x8x8x128xf32, #tpu.memory_space<vmem>>
      %dma_wait3A_473 = tpu.memref_squeeze %dma_wait3A_472 : memref<1x8x8x128xf32, #tpu.memory_space<vmem>> -> memref<8x8x128xf32, #tpu.memory_space<vmem>>
      tpu.wait_dma2 semaphore(%dma_wait3A_463 : memref<!tpu.dma_semaphore, #tpu.memory_space<semaphore_mem>>) src(%dma_wait3A_473 : memref<8x8x128xf32, #tpu.memory_space<vmem>>) dst(%dma_wait3A_468 : memref<8x8x128xf32, #tpu.memory_space<hbm>>)
      %dma_wait3A_474 = arith.constant 0 : i32
      %dma_wait3A_475 = arith.constant 0 : i32
      %dma_wait3A_476 = arith.constant 0 : i32
      %dma_wait3A_477 = arith.constant 0 : i32
      %dma_wait3A_478 = arith.constant 0 : i32
      %dma_wait3A_479 = tpu.memref_slice %arg6[%dma_wait3A_475, %dma_wait3A_477, %dma_wait3A_478] : memref<2x128x128xf32, #tpu.memory_space<vmem>> -> memref<1x128x128xf32, #tpu.memory_space<vmem>>
      %dma_wait3A_480 = tpu.memref_squeeze %dma_wait3A_479 : memref<1x128x128xf32, #tpu.memory_space<vmem>> -> memref<128x128xf32, #tpu.memory_space<vmem>>
      %dma_wait3A_481 = arith.constant 0 : i32
      %dma_wait3A_482 = tpu.memref_slice %arg5[%dma_wait3A_474, %dma_wait3A_481] : memref<200x128xi32, #tpu.memory_space<vmem>> -> memref<1x128xi32, #tpu.memory_space<vmem>>
      %dma_wait3A_483 = tpu.memref_squeeze %dma_wait3A_482 : memref<1x128xi32, #tpu.memory_space<vmem>> -> memref<128xi32, #tpu.memory_space<vmem>>
      %dma_wait3A_484 = arith.constant 0 : i32
      %dma_wait3A_485 = arith.constant 0 : i32
      %dma_wait3A_486 = tpu.memref_slice %arg3[%dma_wait3A_484, %dma_wait3A_485] : memref<1000000x128xf32, #tpu.memory_space<hbm>> -> memref<1000000x128xf32, #tpu.memory_space<hbm>>
      %dma_wait3A_487 = tpu.memref_slice %arg8[%dma_wait3A_476] : memref<2x!tpu.dma_semaphore, #tpu.memory_space<semaphore_mem>> -> memref<1x!tpu.dma_semaphore, #tpu.memory_space<semaphore_mem>>
      %dma_wait3A_488 = tpu.memref_squeeze %dma_wait3A_487 : memref<1x!tpu.dma_semaphore, #tpu.memory_space<semaphore_mem>> -> memref<!tpu.dma_semaphore, #tpu.memory_space<semaphore_mem>>
      tpu.wait_indirect_dma semaphore(%dma_wait3A_488 : memref<!tpu.dma_semaphore, #tpu.memory_space<semaphore_mem>>) src(%dma_wait3A_486 : memref<1000000x128xf32, #tpu.memory_space<hbm>>) dst(%dma_wait3A_480 : memref<128x128xf32, #tpu.memory_space<vmem>>)
      %add3A_489 = arith.constant 0 : i32
      %add3A_490 = arith.addi %add3A_447, %add3A_489 : i32
      %parallel_loop3A_491 = arith.constant 0 : i32
      %parallel_loop3A_492 = arith.constant 8 : i32
      %parallel_loop3A_493 = arith.constant 1 : i32
      scf.for %parallel_loop3A_682 = %parallel_loop3A_491 to %parallel_loop3A_492 step %parallel_loop3A_493  : i32 {
        %parallel_loop3A_683 = arith.constant 16 : i32
        %parallel_loop3A_684 = arith.muli %parallel_loop3A_682, %parallel_loop3A_683 : i32
        %parallel_loop3A_685 = vector.broadcast %parallel_loop3A_684 : i32 to vector<16xi32>
        %parallel_loop3A_686 = arith.addi %iota3A, %parallel_loop3A_685 : vector<16xi32>
        %parallel_loop3A_687 = arith.constant 0 : i32
        %parallel_loop3A_688 = arith.constant 16 : i32
        %parallel_loop3A_689 = arith.constant 1 : i32
        scf.for %parallel_loop3A_690 = %parallel_loop3A_687 to %parallel_loop3A_688 step %parallel_loop3A_689  : i32 {
          %parallel_loop3A_691 = vector.broadcast %parallel_loop3A_690 : i32 to vector<16xi32>
          %parallel_loop3A_692 = arith.addi %iota3A, %parallel_loop3A_691 : vector<16xi32>
          %parallel_loop3A_693 = arith.constant 15 : i32
          %parallel_loop3A_694 = vector.broadcast %parallel_loop3A_693 : i32 to vector<16xi32>
          %parallel_loop3A_695 = arith.andi %parallel_loop3A_692, %parallel_loop3A_694 : vector<16xi32>
          %parallel_loop3A_696 = arith.constant 3 : i32
          %parallel_loop3A_697 = vector.broadcast %parallel_loop3A_696 : i32 to vector<16xi32>
          %parallel_loop3A_698 = arith.shrui %parallel_loop3A_695, %parallel_loop3A_697 : vector<16xi32>
          %parallel_loop3A_699 = arith.constant 7 : i32
          %parallel_loop3A_700 = vector.broadcast %parallel_loop3A_699 : i32 to vector<16xi32>
          %parallel_loop3A_701 = arith.andi %parallel_loop3A_695, %parallel_loop3A_700 : vector<16xi32>
          %parallel_loop3A_702 = arith.constant 0 : i32
          %parallel_loop3A_703 = vector.broadcast %parallel_loop3A_702 : i32 to vector<16xi32>
          %parallel_loop3A_704 = arith.addi %parallel_loop3A_703, %parallel_loop3A_695 : vector<16xi32>
          %parallel_loop3A_705 = tpu.vector_load_idx %arg6[%broadcast_in_dim3A_3, %parallel_loop3A_686, %parallel_loop3A_704] : memref<2x128x128xf32, #tpu.memory_space<vmem>>[vector<16xi32>, vector<16xi32>, vector<16xi32>], vector<16xf32>,
          %parallel_loop3A_706 = arith.constant 8.000000e+00 : f32
          %parallel_loop3A_707 = vector.broadcast %parallel_loop3A_706 : f32 to vector<16xf32>
          %parallel_loop3A_708 = arith.mulf %parallel_loop3A_705, %parallel_loop3A_707 : vector<16xf32>
          %parallel_loop3A_709 = arith.constant 0 : i32
          %parallel_loop3A_710 = vector.broadcast %parallel_loop3A_709 : i32 to vector<16xi32>
          %parallel_loop3A_711 = arith.addi %parallel_loop3A_698, %parallel_loop3A_710 : vector<16xi32>
          tpu.vector_store_idx %arg7[%broadcast_in_dim3A_3, %parallel_loop3A_711, %parallel_loop3A_701, %parallel_loop3A_686], %parallel_loop3A_708 : memref<2x8x8x128xf32, #tpu.memory_space<vmem>>[vector<16xi32>, vector<16xi32>, vector<16xi32>, vector<16xi32>], vector<16xf32>,
          %parallel_loop3A_712 = arith.constant 16 : i32
          %parallel_loop3A_713 = vector.broadcast %parallel_loop3A_712 : i32 to vector<16xi32>
          %parallel_loop3A_714 = arith.addi %parallel_loop3A_713, %parallel_loop3A_695 : vector<16xi32>
          %parallel_loop3A_715 = tpu.vector_load_idx %arg6[%broadcast_in_dim3A_3, %parallel_loop3A_686, %parallel_loop3A_714] : memref<2x128x128xf32, #tpu.memory_space<vmem>>[vector<16xi32>, vector<16xi32>, vector<16xi32>], vector<16xf32>,
          %parallel_loop3A_716 = arith.constant 8.000000e+00 : f32
          %parallel_loop3A_717 = vector.broadcast %parallel_loop3A_716 : f32 to vector<16xf32>
          %parallel_loop3A_718 = arith.mulf %parallel_loop3A_715, %parallel_loop3A_717 : vector<16xf32>
          %parallel_loop3A_719 = arith.constant 2 : i32
          %parallel_loop3A_720 = vector.broadcast %parallel_loop3A_719 : i32 to vector<16xi32>
          %parallel_loop3A_721 = arith.addi %parallel_loop3A_698, %parallel_loop3A_720 : vector<16xi32>
          tpu.vector_store_idx %arg7[%broadcast_in_dim3A_3, %parallel_loop3A_721, %parallel_loop3A_701, %parallel_loop3A_686], %parallel_loop3A_718 : memref<2x8x8x128xf32, #tpu.memory_space<vmem>>[vector<16xi32>, vector<16xi32>, vector<16xi32>, vector<16xi32>], vector<16xf32>,
          %parallel_loop3A_722 = arith.constant 32 : i32
          %parallel_loop3A_723 = vector.broadcast %parallel_loop3A_722 : i32 to vector<16xi32>
          %parallel_loop3A_724 = arith.addi %parallel_loop3A_723, %parallel_loop3A_695 : vector<16xi32>
          %parallel_loop3A_725 = tpu.vector_load_idx %arg6[%broadcast_in_dim3A_3, %parallel_loop3A_686, %parallel_loop3A_724] : memref<2x128x128xf32, #tpu.memory_space<vmem>>[vector<16xi32>, vector<16xi32>, vector<16xi32>], vector<16xf32>,
          %parallel_loop3A_726 = arith.constant 8.000000e+00 : f32
          %parallel_loop3A_727 = vector.broadcast %parallel_loop3A_726 : f32 to vector<16xf32>
          %parallel_loop3A_728 = arith.mulf %parallel_loop3A_725, %parallel_loop3A_727 : vector<16xf32>
          %parallel_loop3A_729 = arith.constant 4 : i32
          %parallel_loop3A_730 = vector.broadcast %parallel_loop3A_729 : i32 to vector<16xi32>
          %parallel_loop3A_731 = arith.addi %parallel_loop3A_698, %parallel_loop3A_730 : vector<16xi32>
          tpu.vector_store_idx %arg7[%broadcast_in_dim3A_3, %parallel_loop3A_731, %parallel_loop3A_701, %parallel_loop3A_686], %parallel_loop3A_728 : memref<2x8x8x128xf32, #tpu.memory_space<vmem>>[vector<16xi32>, vector<16xi32>, vector<16xi32>, vector<16xi32>], vector<16xf32>,
          %parallel_loop3A_732 = arith.constant 48 : i32
          %parallel_loop3A_733 = vector.broadcast %parallel_loop3A_732 : i32 to vector<16xi32>
          %parallel_loop3A_734 = arith.addi %parallel_loop3A_733, %parallel_loop3A_695 : vector<16xi32>
          %parallel_loop3A_735 = tpu.vector_load_idx %arg6[%broadcast_in_dim3A_3, %parallel_loop3A_686, %parallel_loop3A_734] : memref<2x128x128xf32, #tpu.memory_space<vmem>>[vector<16xi32>, vector<16xi32>, vector<16xi32>], vector<16xf32>,
          %parallel_loop3A_736 = arith.constant 8.000000e+00 : f32
          %parallel_loop3A_737 = vector.broadcast %parallel_loop3A_736 : f32 to vector<16xf32>
          %parallel_loop3A_738 = arith.mulf %parallel_loop3A_735, %parallel_loop3A_737 : vector<16xf32>
          %parallel_loop3A_739 = arith.constant 6 : i32
          %parallel_loop3A_740 = vector.broadcast %parallel_loop3A_739 : i32 to vector<16xi32>
          %parallel_loop3A_741 = arith.addi %parallel_loop3A_698, %parallel_loop3A_740 : vector<16xi32>
          tpu.vector_store_idx %arg7[%broadcast_in_dim3A_3, %parallel_loop3A_741, %parallel_loop3A_701, %parallel_loop3A_686], %parallel_loop3A_738 : memref<2x8x8x128xf32, #tpu.memory_space<vmem>>[vector<16xi32>, vector<16xi32>, vector<16xi32>, vector<16xi32>], vector<16xf32>,
        } {sc.loop_unroll_factor = 2 : i64, sc.parallel_access}
      } {sc.loop_unroll_factor = 1 : i64, sc.parallel_access}
      %add3A_494 = arith.constant 0 : i32
      %add3A_495 = arith.addi %add3A_447, %add3A_494 : i32
      %add3A_496 = arith.addi %mul3A_2, %add3A_495 : i32
      %jit3A_497 = arith.constant 32 : i32
      %div3A_498 = arith.divsi %add3A_496, %jit3A_497 : i32
      %sign3A_499 = arith.constant 0 : i32
      %sign3A_500 = arith.cmpi sgt, %add3A_496, %sign3A_499 : i32
      %sign3A_501 = arith.extui %sign3A_500 : i1 to i32
      %sign3A_502 = arith.constant 0 : i32
      %sign3A_503 = arith.cmpi slt, %add3A_496, %sign3A_502 : i32
      %sign3A_504 = arith.extui %sign3A_503 : i1 to i32
      %sign3A_505 = arith.subi %sign3A_501, %sign3A_504 : i32
      %sign3A_506 = arith.constant 0 : i32
      %sign3A_507 = arith.cmpi sgt, %jit3A_497, %sign3A_506 : i32
      %sign3A_508 = arith.extui %sign3A_507 : i1 to i32
      %sign3A_509 = arith.constant 0 : i32
      %sign3A_510 = arith.cmpi slt, %jit3A_497, %sign3A_509 : i32
      %sign3A_511 = arith.extui %sign3A_510 : i1 to i32
      %sign3A_512 = arith.subi %sign3A_508, %sign3A_511 : i32
      %ne3A_513 = arith.cmpi ne, %sign3A_505, %sign3A_512 : i32
      %rem3A_514 = arith.remsi %add3A_496, %jit3A_497 : i32
      %ne3A_515 = arith.constant 0 : i32
      %ne3A_516 = arith.cmpi ne, %rem3A_514, %ne3A_515 : i32
      %and3A_517 = arith.andi %ne3A_513, %ne3A_516 : i1
      %sub3A_518 = arith.constant 1 : i32
      %sub3A_519 = arith.subi %div3A_498, %sub3A_518 : i32
      %select_n3A_520 = arith.select %and3A_517, %sub3A_519, %div3A_498 : i32
      %rem3A_521 = arith.constant 32 : i32
      %rem3A_522 = arith.remsi %add3A_496, %rem3A_521 : i32
      %dma_start3A_523 = arith.constant 0 : i32
      %dma_start3A_524 = arith.constant 0 : i32
      %dma_start3A_525 = arith.constant 0 : i32
      %dma_start3A_526 = arith.constant 0 : i32
      %dma_start3A_527 = arith.constant 0 : i32
      %dma_start3A_528 = tpu.memref_slice %arg7[%dma_start3A_523, %dma_start3A_525, %dma_start3A_526, %dma_start3A_527] : memref<2x8x8x128xf32, #tpu.memory_space<vmem>> -> memref<1x8x8x128xf32, #tpu.memory_space<vmem>>
      %dma_start3A_529 = tpu.memref_squeeze %dma_start3A_528 : memref<1x8x8x128xf32, #tpu.memory_space<vmem>> -> memref<8x8x128xf32, #tpu.memory_space<vmem>>
      %dma_start3A_530 = arith.constant 0 : i32
      %dma_start3A_531 = arith.constant 0 : i32
      %dma_start3A_532 = arith.constant 0 : i32
      %dma_start3A_533 = tpu.memref_slice %arg4[%select_n3A_520, %dma_start3A_530, %rem3A_522, %dma_start3A_531, %dma_start3A_532] : memref<200x8x32x8x128xf32, #tpu.memory_space<hbm>> -> memref<1x8x1x8x128xf32, #tpu.memory_space<hbm>>
      %dma_start3A_534 = tpu.memref_squeeze %dma_start3A_533 : memref<1x8x1x8x128xf32, #tpu.memory_space<hbm>> -> memref<8x8x128xf32, #tpu.memory_space<hbm>>
      %dma_start3A_535 = tpu.memref_slice %arg9[%dma_start3A_524] : memref<2x!tpu.dma_semaphore, #tpu.memory_space<semaphore_mem>> -> memref<1x!tpu.dma_semaphore, #tpu.memory_space<semaphore_mem>>
      %dma_start3A_536 = tpu.memref_squeeze %dma_start3A_535 : memref<1x!tpu.dma_semaphore, #tpu.memory_space<semaphore_mem>> -> memref<!tpu.dma_semaphore, #tpu.memory_space<semaphore_mem>>
      %dma_start3A_537 = arith.constant 0 : i32
      %dma_start3A_538 = arith.constant 0 : i32
      %dma_start3A_539 = arith.constant 0 : i32
      %dma_start3A_540 = tpu.memref_slice %arg4[%select_n3A_520, %dma_start3A_537, %rem3A_522, %dma_start3A_538, %dma_start3A_539] : memref<200x8x32x8x128xf32, #tpu.memory_space<hbm>> -> memref<1x8x1x8x128xf32, #tpu.memory_space<hbm>>
      %dma_start3A_541 = tpu.memref_squeeze %dma_start3A_540 : memref<1x8x1x8x128xf32, #tpu.memory_space<hbm>> -> memref<8x8x128xf32, #tpu.memory_space<hbm>>
      %dma_start3A_542 = arith.constant 0 : i32
      %dma_start3A_543 = arith.constant 0 : i32
      %dma_start3A_544 = arith.constant 0 : i32
      %dma_start3A_545 = tpu.memref_slice %arg7[%dma_start3A_523, %dma_start3A_542, %dma_start3A_543, %dma_start3A_544] : memref<2x8x8x128xf32, #tpu.memory_space<vmem>> -> memref<1x8x8x128xf32, #tpu.memory_space<vmem>>
      %dma_start3A_546 = tpu.memref_squeeze %dma_start3A_545 : memref<1x8x8x128xf32, #tpu.memory_space<vmem>> -> memref<8x8x128xf32, #tpu.memory_space<vmem>>
      tpu.enqueue_dma source(%dma_start3A_546 : memref<8x8x128xf32, #tpu.memory_space<vmem>>) target(%dma_start3A_541 : memref<8x8x128xf32, #tpu.memory_space<hbm>>) target_semaphore(%dma_start3A_536 : memref<!tpu.dma_semaphore, #tpu.memory_space<semaphore_mem>>)
      %add3A_547 = arith.constant 0 : i32
      %add3A_548 = arith.addi %add3A_447, %add3A_547 : i32
      %add3A_549 = arith.constant 2 : i32
      %add3A_550 = arith.addi %add3A_548, %add3A_549 : i32
      %dma_start3A_551 = arith.constant 0 : i32
      %dma_start3A_552 = arith.constant 0 : i32
      %dma_start3A_553 = arith.constant 0 : i32
      %dma_start3A_554 = arith.constant 0 : i32
      %dma_start3A_555 = tpu.memref_slice %arg6[%dma_start3A_551, %dma_start3A_553, %dma_start3A_554] : memref<2x128x128xf32, #tpu.memory_space<vmem>> -> memref<1x128x128xf32, #tpu.memory_space<vmem>>
      %dma_start3A_556 = tpu.memref_squeeze %dma_start3A_555 : memref<1x128x128xf32, #tpu.memory_space<vmem>> -> memref<128x128xf32, #tpu.memory_space<vmem>>
      %dma_start3A_557 = arith.constant 0 : i32
      %dma_start3A_558 = tpu.memref_slice %arg5[%add3A_550, %dma_start3A_557] : memref<200x128xi32, #tpu.memory_space<vmem>> -> memref<1x128xi32, #tpu.memory_space<vmem>>
      %dma_start3A_559 = tpu.memref_squeeze %dma_start3A_558 : memref<1x128xi32, #tpu.memory_space<vmem>> -> memref<128xi32, #tpu.memory_space<vmem>>
      %dma_start3A_560 = arith.constant 0 : i32
      %dma_start3A_561 = arith.constant 0 : i32
      %dma_start3A_562 = tpu.memref_slice %arg3[%dma_start3A_560, %dma_start3A_561] : memref<1000000x128xf32, #tpu.memory_space<hbm>> -> memref<1000000x128xf32, #tpu.memory_space<hbm>>
      %dma_start3A_563 = tpu.memref_slice %arg8[%dma_start3A_552] : memref<2x!tpu.dma_semaphore, #tpu.memory_space<semaphore_mem>> -> memref<1x!tpu.dma_semaphore, #tpu.memory_space<semaphore_mem>>
      %dma_start3A_564 = tpu.memref_squeeze %dma_start3A_563 : memref<1x!tpu.dma_semaphore, #tpu.memory_space<semaphore_mem>> -> memref<!tpu.dma_semaphore, #tpu.memory_space<semaphore_mem>>
      tpu.enqueue_indirect_dma source(%dma_start3A_562 : memref<1000000x128xf32, #tpu.memory_space<hbm>>) target(%dma_start3A_556 : memref<128x128xf32, #tpu.memory_space<vmem>>) offsets(%dma_start3A_559 : memref<128xi32, #tpu.memory_space<vmem>>) semaphore(%dma_start3A_564 : memref<!tpu.dma_semaphore, #tpu.memory_space<semaphore_mem>>)
      %dma_wait3A_565 = arith.constant 1 : i32
      %dma_wait3A_566 = arith.constant 0 : i32
      %dma_wait3A_567 = arith.constant 0 : i32
      %dma_wait3A_568 = arith.constant 1 : i32
      %dma_wait3A_569 = arith.constant 0 : i32
      %dma_wait3A_570 = arith.constant 0 : i32
      %dma_wait3A_571 = arith.constant 0 : i32
      %dma_wait3A_572 = tpu.memref_slice %arg7[%dma_wait3A_565, %dma_wait3A_569, %dma_wait3A_570, %dma_wait3A_571] : memref<2x8x8x128xf32, #tpu.memory_space<vmem>> -> memref<1x8x8x128xf32, #tpu.memory_space<vmem>>
      %dma_wait3A_573 = tpu.memref_squeeze %dma_wait3A_572 : memref<1x8x8x128xf32, #tpu.memory_space<vmem>> -> memref<8x8x128xf32, #tpu.memory_space<vmem>>
      %dma_wait3A_574 = arith.constant 0 : i32
      %dma_wait3A_575 = arith.constant 0 : i32
      %dma_wait3A_576 = arith.constant 0 : i32
      %dma_wait3A_577 = tpu.memref_slice %arg4[%dma_wait3A_566, %dma_wait3A_574, %dma_wait3A_567, %dma_wait3A_575, %dma_wait3A_576] : memref<200x8x32x8x128xf32, #tpu.memory_space<hbm>> -> memref<1x8x1x8x128xf32, #tpu.memory_space<hbm>>
      %dma_wait3A_578 = tpu.memref_squeeze %dma_wait3A_577 : memref<1x8x1x8x128xf32, #tpu.memory_space<hbm>> -> memref<8x8x128xf32, #tpu.memory_space<hbm>>
      %dma_wait3A_579 = tpu.memref_slice %arg9[%dma_wait3A_568] : memref<2x!tpu.dma_semaphore, #tpu.memory_space<semaphore_mem>> -> memref<1x!tpu.dma_semaphore, #tpu.memory_space<semaphore_mem>>
      %dma_wait3A_580 = tpu.memref_squeeze %dma_wait3A_579 : memref<1x!tpu.dma_semaphore, #tpu.memory_space<semaphore_mem>> -> memref<!tpu.dma_semaphore, #tpu.memory_space<semaphore_mem>>
      %dma_wait3A_581 = arith.constant 0 : i32
      %dma_wait3A_582 = arith.constant 0 : i32
      %dma_wait3A_583 = arith.constant 0 : i32
      %dma_wait3A_584 = tpu.memref_slice %arg4[%dma_wait3A_566, %dma_wait3A_581, %dma_wait3A_567, %dma_wait3A_582, %dma_wait3A_583] : memref<200x8x32x8x128xf32, #tpu.memory_space<hbm>> -> memref<1x8x1x8x128xf32, #tpu.memory_space<hbm>>
      %dma_wait3A_585 = tpu.memref_squeeze %dma_wait3A_584 : memref<1x8x1x8x128xf32, #tpu.memory_space<hbm>> -> memref<8x8x128xf32, #tpu.memory_space<hbm>>
      %dma_wait3A_586 = arith.constant 0 : i32
      %dma_wait3A_587 = arith.constant 0 : i32
      %dma_wait3A_588 = arith.constant 0 : i32
      %dma_wait3A_589 = tpu.memref_slice %arg7[%dma_wait3A_565, %dma_wait3A_586, %dma_wait3A_587, %dma_wait3A_588] : memref<2x8x8x128xf32, #tpu.memory_space<vmem>> -> memref<1x8x8x128xf32, #tpu.memory_space<vmem>>
      %dma_wait3A_590 = tpu.memref_squeeze %dma_wait3A_589 : memref<1x8x8x128xf32, #tpu.memory_space<vmem>> -> memref<8x8x128xf32, #tpu.memory_space<vmem>>
      tpu.wait_dma2 semaphore(%dma_wait3A_580 : memref<!tpu.dma_semaphore, #tpu.memory_space<semaphore_mem>>) src(%dma_wait3A_590 : memref<8x8x128xf32, #tpu.memory_space<vmem>>) dst(%dma_wait3A_585 : memref<8x8x128xf32, #tpu.memory_space<hbm>>)
      %dma_wait3A_591 = arith.constant 0 : i32
      %dma_wait3A_592 = arith.constant 1 : i32
      %dma_wait3A_593 = arith.constant 1 : i32
      %dma_wait3A_594 = arith.constant 0 : i32
      %dma_wait3A_595 = arith.constant 0 : i32
      %dma_wait3A_596 = tpu.memref_slice %arg6[%dma_wait3A_592, %dma_wait3A_594, %dma_wait3A_595] : memref<2x128x128xf32, #tpu.memory_space<vmem>> -> memref<1x128x128xf32, #tpu.memory_space<vmem>>
      %dma_wait3A_597 = tpu.memref_squeeze %dma_wait3A_596 : memref<1x128x128xf32, #tpu.memory_space<vmem>> -> memref<128x128xf32, #tpu.memory_space<vmem>>
      %dma_wait3A_598 = arith.constant 0 : i32
      %dma_wait3A_599 = tpu.memref_slice %arg5[%dma_wait3A_591, %dma_wait3A_598] : memref<200x128xi32, #tpu.memory_space<vmem>> -> memref<1x128xi32, #tpu.memory_space<vmem>>
      %dma_wait3A_600 = tpu.memref_squeeze %dma_wait3A_599 : memref<1x128xi32, #tpu.memory_space<vmem>> -> memref<128xi32, #tpu.memory_space<vmem>>
      %dma_wait3A_601 = arith.constant 0 : i32
      %dma_wait3A_602 = arith.constant 0 : i32
      %dma_wait3A_603 = tpu.memref_slice %arg3[%dma_wait3A_601, %dma_wait3A_602] : memref<1000000x128xf32, #tpu.memory_space<hbm>> -> memref<1000000x128xf32, #tpu.memory_space<hbm>>
      %dma_wait3A_604 = tpu.memref_slice %arg8[%dma_wait3A_593] : memref<2x!tpu.dma_semaphore, #tpu.memory_space<semaphore_mem>> -> memref<1x!tpu.dma_semaphore, #tpu.memory_space<semaphore_mem>>
      %dma_wait3A_605 = tpu.memref_squeeze %dma_wait3A_604 : memref<1x!tpu.dma_semaphore, #tpu.memory_space<semaphore_mem>> -> memref<!tpu.dma_semaphore, #tpu.memory_space<semaphore_mem>>
      tpu.wait_indirect_dma semaphore(%dma_wait3A_605 : memref<!tpu.dma_semaphore, #tpu.memory_space<semaphore_mem>>) src(%dma_wait3A_603 : memref<1000000x128xf32, #tpu.memory_space<hbm>>) dst(%dma_wait3A_597 : memref<128x128xf32, #tpu.memory_space<vmem>>)
      %add3A_606 = arith.constant 1 : i32
      %add3A_607 = arith.addi %add3A_447, %add3A_606 : i32
      %parallel_loop3A_608 = arith.constant 0 : i32
      %parallel_loop3A_609 = arith.constant 8 : i32
      %parallel_loop3A_610 = arith.constant 1 : i32
      scf.for %parallel_loop3A_682 = %parallel_loop3A_608 to %parallel_loop3A_609 step %parallel_loop3A_610  : i32 {
        %parallel_loop3A_683 = arith.constant 16 : i32
        %parallel_loop3A_684 = arith.muli %parallel_loop3A_682, %parallel_loop3A_683 : i32
        %parallel_loop3A_685 = vector.broadcast %parallel_loop3A_684 : i32 to vector<16xi32>
        %parallel_loop3A_686 = arith.addi %iota3A, %parallel_loop3A_685 : vector<16xi32>
        %parallel_loop3A_687 = arith.constant 0 : i32
        %parallel_loop3A_688 = arith.constant 16 : i32
        %parallel_loop3A_689 = arith.constant 1 : i32
        scf.for %parallel_loop3A_690 = %parallel_loop3A_687 to %parallel_loop3A_688 step %parallel_loop3A_689  : i32 {
          %parallel_loop3A_691 = vector.broadcast %parallel_loop3A_690 : i32 to vector<16xi32>
          %parallel_loop3A_692 = arith.addi %iota3A, %parallel_loop3A_691 : vector<16xi32>
          %parallel_loop3A_693 = arith.constant 15 : i32
          %parallel_loop3A_694 = vector.broadcast %parallel_loop3A_693 : i32 to vector<16xi32>
          %parallel_loop3A_695 = arith.andi %parallel_loop3A_692, %parallel_loop3A_694 : vector<16xi32>
          %parallel_loop3A_696 = arith.constant 3 : i32
          %parallel_loop3A_697 = vector.broadcast %parallel_loop3A_696 : i32 to vector<16xi32>
          %parallel_loop3A_698 = arith.shrui %parallel_loop3A_695, %parallel_loop3A_697 : vector<16xi32>
          %parallel_loop3A_699 = arith.constant 7 : i32
          %parallel_loop3A_700 = vector.broadcast %parallel_loop3A_699 : i32 to vector<16xi32>
          %parallel_loop3A_701 = arith.andi %parallel_loop3A_695, %parallel_loop3A_700 : vector<16xi32>
          %parallel_loop3A_702 = arith.constant 0 : i32
          %parallel_loop3A_703 = vector.broadcast %parallel_loop3A_702 : i32 to vector<16xi32>
          %parallel_loop3A_704 = arith.addi %parallel_loop3A_703, %parallel_loop3A_695 : vector<16xi32>
          %parallel_loop3A_705 = tpu.vector_load_idx %arg6[%broadcast_in_dim3A_5, %parallel_loop3A_686, %parallel_loop3A_704] : memref<2x128x128xf32, #tpu.memory_space<vmem>>[vector<16xi32>, vector<16xi32>, vector<16xi32>], vector<16xf32>,
          %parallel_loop3A_706 = arith.constant 8.000000e+00 : f32
          %parallel_loop3A_707 = vector.broadcast %parallel_loop3A_706 : f32 to vector<16xf32>
          %parallel_loop3A_708 = arith.mulf %parallel_loop3A_705, %parallel_loop3A_707 : vector<16xf32>
          %parallel_loop3A_709 = arith.constant 0 : i32
          %parallel_loop3A_710 = vector.broadcast %parallel_loop3A_709 : i32 to vector<16xi32>
          %parallel_loop3A_711 = arith.addi %parallel_loop3A_698, %parallel_loop3A_710 : vector<16xi32>
          tpu.vector_store_idx %arg7[%broadcast_in_dim3A_5, %parallel_loop3A_711, %parallel_loop3A_701, %parallel_loop3A_686], %parallel_loop3A_708 : memref<2x8x8x128xf32, #tpu.memory_space<vmem>>[vector<16xi32>, vector<16xi32>, vector<16xi32>, vector<16xi32>], vector<16xf32>,
          %parallel_loop3A_712 = arith.constant 16 : i32
          %parallel_loop3A_713 = vector.broadcast %parallel_loop3A_712 : i32 to vector<16xi32>
          %parallel_loop3A_714 = arith.addi %parallel_loop3A_713, %parallel_loop3A_695 : vector<16xi32>
          %parallel_loop3A_715 = tpu.vector_load_idx %arg6[%broadcast_in_dim3A_5, %parallel_loop3A_686, %parallel_loop3A_714] : memref<2x128x128xf32, #tpu.memory_space<vmem>>[vector<16xi32>, vector<16xi32>, vector<16xi32>], vector<16xf32>,
          %parallel_loop3A_716 = arith.constant 8.000000e+00 : f32
          %parallel_loop3A_717 = vector.broadcast %parallel_loop3A_716 : f32 to vector<16xf32>
          %parallel_loop3A_718 = arith.mulf %parallel_loop3A_715, %parallel_loop3A_717 : vector<16xf32>
          %parallel_loop3A_719 = arith.constant 2 : i32
          %parallel_loop3A_720 = vector.broadcast %parallel_loop3A_719 : i32 to vector<16xi32>
          %parallel_loop3A_721 = arith.addi %parallel_loop3A_698, %parallel_loop3A_720 : vector<16xi32>
          tpu.vector_store_idx %arg7[%broadcast_in_dim3A_5, %parallel_loop3A_721, %parallel_loop3A_701, %parallel_loop3A_686], %parallel_loop3A_718 : memref<2x8x8x128xf32, #tpu.memory_space<vmem>>[vector<16xi32>, vector<16xi32>, vector<16xi32>, vector<16xi32>], vector<16xf32>,
          %parallel_loop3A_722 = arith.constant 32 : i32
          %parallel_loop3A_723 = vector.broadcast %parallel_loop3A_722 : i32 to vector<16xi32>
          %parallel_loop3A_724 = arith.addi %parallel_loop3A_723, %parallel_loop3A_695 : vector<16xi32>
          %parallel_loop3A_725 = tpu.vector_load_idx %arg6[%broadcast_in_dim3A_5, %parallel_loop3A_686, %parallel_loop3A_724] : memref<2x128x128xf32, #tpu.memory_space<vmem>>[vector<16xi32>, vector<16xi32>, vector<16xi32>], vector<16xf32>,
          %parallel_loop3A_726 = arith.constant 8.000000e+00 : f32
          %parallel_loop3A_727 = vector.broadcast %parallel_loop3A_726 : f32 to vector<16xf32>
          %parallel_loop3A_728 = arith.mulf %parallel_loop3A_725, %parallel_loop3A_727 : vector<16xf32>
          %parallel_loop3A_729 = arith.constant 4 : i32
          %parallel_loop3A_730 = vector.broadcast %parallel_loop3A_729 : i32 to vector<16xi32>
          %parallel_loop3A_731 = arith.addi %parallel_loop3A_698, %parallel_loop3A_730 : vector<16xi32>
          tpu.vector_store_idx %arg7[%broadcast_in_dim3A_5, %parallel_loop3A_731, %parallel_loop3A_701, %parallel_loop3A_686], %parallel_loop3A_728 : memref<2x8x8x128xf32, #tpu.memory_space<vmem>>[vector<16xi32>, vector<16xi32>, vector<16xi32>, vector<16xi32>], vector<16xf32>,
          %parallel_loop3A_732 = arith.constant 48 : i32
          %parallel_loop3A_733 = vector.broadcast %parallel_loop3A_732 : i32 to vector<16xi32>
          %parallel_loop3A_734 = arith.addi %parallel_loop3A_733, %parallel_loop3A_695 : vector<16xi32>
          %parallel_loop3A_735 = tpu.vector_load_idx %arg6[%broadcast_in_dim3A_5, %parallel_loop3A_686, %parallel_loop3A_734] : memref<2x128x128xf32, #tpu.memory_space<vmem>>[vector<16xi32>, vector<16xi32>, vector<16xi32>], vector<16xf32>,
          %parallel_loop3A_736 = arith.constant 8.000000e+00 : f32
          %parallel_loop3A_737 = vector.broadcast %parallel_loop3A_736 : f32 to vector<16xf32>
          %parallel_loop3A_738 = arith.mulf %parallel_loop3A_735, %parallel_loop3A_737 : vector<16xf32>
          %parallel_loop3A_739 = arith.constant 6 : i32
          %parallel_loop3A_740 = vector.broadcast %parallel_loop3A_739 : i32 to vector<16xi32>
          %parallel_loop3A_741 = arith.addi %parallel_loop3A_698, %parallel_loop3A_740 : vector<16xi32>
          tpu.vector_store_idx %arg7[%broadcast_in_dim3A_5, %parallel_loop3A_741, %parallel_loop3A_701, %parallel_loop3A_686], %parallel_loop3A_738 : memref<2x8x8x128xf32, #tpu.memory_space<vmem>>[vector<16xi32>, vector<16xi32>, vector<16xi32>, vector<16xi32>], vector<16xf32>,
        } {sc.loop_unroll_factor = 2 : i64, sc.parallel_access}
      } {sc.loop_unroll_factor = 1 : i64, sc.parallel_access}
      %add3A_611 = arith.constant 1 : i32
      %add3A_612 = arith.addi %add3A_447, %add3A_611 : i32
      %add3A_613 = arith.addi %mul3A_2, %add3A_612 : i32
      %jit3A_614 = arith.constant 32 : i32
      %div3A_615 = arith.divsi %add3A_613, %jit3A_614 : i32
      %sign3A_616 = arith.constant 0 : i32
      %sign3A_617 = arith.cmpi sgt, %add3A_613, %sign3A_616 : i32
      %sign3A_618 = arith.extui %sign3A_617 : i1 to i32
      %sign3A_619 = arith.constant 0 : i32
      %sign3A_620 = arith.cmpi slt, %add3A_613, %sign3A_619 : i32
      %sign3A_621 = arith.extui %sign3A_620 : i1 to i32
      %sign3A_622 = arith.subi %sign3A_618, %sign3A_621 : i32
      %sign3A_623 = arith.constant 0 : i32
      %sign3A_624 = arith.cmpi sgt, %jit3A_614, %sign3A_623 : i32
      %sign3A_625 = arith.extui %sign3A_624 : i1 to i32
      %sign3A_626 = arith.constant 0 : i32
      %sign3A_627 = arith.cmpi slt, %jit3A_614, %sign3A_626 : i32
      %sign3A_628 = arith.extui %sign3A_627 : i1 to i32
      %sign3A_629 = arith.subi %sign3A_625, %sign3A_628 : i32
      %ne3A_630 = arith.cmpi ne, %sign3A_622, %sign3A_629 : i32
      %rem3A_631 = arith.remsi %add3A_613, %jit3A_614 : i32
      %ne3A_632 = arith.constant 0 : i32
      %ne3A_633 = arith.cmpi ne, %rem3A_631, %ne3A_632 : i32
      %and3A_634 = arith.andi %ne3A_630, %ne3A_633 : i1
      %sub3A_635 = arith.constant 1 : i32
      %sub3A_636 = arith.subi %div3A_615, %sub3A_635 : i32
      %select_n3A_637 = arith.select %and3A_634, %sub3A_636, %div3A_615 : i32
      %rem3A_638 = arith.constant 32 : i32
      %rem3A_639 = arith.remsi %add3A_613, %rem3A_638 : i32
      %dma_start3A_640 = arith.constant 1 : i32
      %dma_start3A_641 = arith.constant 1 : i32
      %dma_start3A_642 = arith.constant 0 : i32
      %dma_start3A_643 = arith.constant 0 : i32
      %dma_start3A_644 = arith.constant 0 : i32
      %dma_start3A_645 = tpu.memref_slice %arg7[%dma_start3A_640, %dma_start3A_642, %dma_start3A_643, %dma_start3A_644] : memref<2x8x8x128xf32, #tpu.memory_space<vmem>> -> memref<1x8x8x128xf32, #tpu.memory_space<vmem>>
      %dma_start3A_646 = tpu.memref_squeeze %dma_start3A_645 : memref<1x8x8x128xf32, #tpu.memory_space<vmem>> -> memref<8x8x128xf32, #tpu.memory_space<vmem>>
      %dma_start3A_647 = arith.constant 0 : i32
      %dma_start3A_648 = arith.constant 0 : i32
      %dma_start3A_649 = arith.constant 0 : i32
      %dma_start3A_650 = tpu.memref_slice %arg4[%select_n3A_637, %dma_start3A_647, %rem3A_639, %dma_start3A_648, %dma_start3A_649] : memref<200x8x32x8x128xf32, #tpu.memory_space<hbm>> -> memref<1x8x1x8x128xf32, #tpu.memory_space<hbm>>
      %dma_start3A_651 = tpu.memref_squeeze %dma_start3A_650 : memref<1x8x1x8x128xf32, #tpu.memory_space<hbm>> -> memref<8x8x128xf32, #tpu.memory_space<hbm>>
      %dma_start3A_652 = tpu.memref_slice %arg9[%dma_start3A_641] : memref<2x!tpu.dma_semaphore, #tpu.memory_space<semaphore_mem>> -> memref<1x!tpu.dma_semaphore, #tpu.memory_space<semaphore_mem>>
      %dma_start3A_653 = tpu.memref_squeeze %dma_start3A_652 : memref<1x!tpu.dma_semaphore, #tpu.memory_space<semaphore_mem>> -> memref<!tpu.dma_semaphore, #tpu.memory_space<semaphore_mem>>
      %dma_start3A_654 = arith.constant 0 : i32
      %dma_start3A_655 = arith.constant 0 : i32
      %dma_start3A_656 = arith.constant 0 : i32
      %dma_start3A_657 = tpu.memref_slice %arg4[%select_n3A_637, %dma_start3A_654, %rem3A_639, %dma_start3A_655, %dma_start3A_656] : memref<200x8x32x8x128xf32, #tpu.memory_space<hbm>> -> memref<1x8x1x8x128xf32, #tpu.memory_space<hbm>>
      %dma_start3A_658 = tpu.memref_squeeze %dma_start3A_657 : memref<1x8x1x8x128xf32, #tpu.memory_space<hbm>> -> memref<8x8x128xf32, #tpu.memory_space<hbm>>
      %dma_start3A_659 = arith.constant 0 : i32
      %dma_start3A_660 = arith.constant 0 : i32
      %dma_start3A_661 = arith.constant 0 : i32
      %dma_start3A_662 = tpu.memref_slice %arg7[%dma_start3A_640, %dma_start3A_659, %dma_start3A_660, %dma_start3A_661] : memref<2x8x8x128xf32, #tpu.memory_space<vmem>> -> memref<1x8x8x128xf32, #tpu.memory_space<vmem>>
      %dma_start3A_663 = tpu.memref_squeeze %dma_start3A_662 : memref<1x8x8x128xf32, #tpu.memory_space<vmem>> -> memref<8x8x128xf32, #tpu.memory_space<vmem>>
      tpu.enqueue_dma source(%dma_start3A_663 : memref<8x8x128xf32, #tpu.memory_space<vmem>>) target(%dma_start3A_658 : memref<8x8x128xf32, #tpu.memory_space<hbm>>) target_semaphore(%dma_start3A_653 : memref<!tpu.dma_semaphore, #tpu.memory_space<semaphore_mem>>)
      %add3A_664 = arith.constant 1 : i32
      %add3A_665 = arith.addi %add3A_447, %add3A_664 : i32
      %add3A_666 = arith.constant 2 : i32
      %add3A_667 = arith.addi %add3A_665, %add3A_666 : i32
      %dma_start3A_668 = arith.constant 1 : i32
      %dma_start3A_669 = arith.constant 1 : i32
      %dma_start3A_670 = arith.constant 0 : i32
      %dma_start3A_671 = arith.constant 0 : i32
      %dma_start3A_672 = tpu.memref_slice %arg6[%dma_start3A_668, %dma_start3A_670, %dma_start3A_671] : memref<2x128x128xf32, #tpu.memory_space<vmem>> -> memref<1x128x128xf32, #tpu.memory_space<vmem>>
      %dma_start3A_673 = tpu.memref_squeeze %dma_start3A_672 : memref<1x128x128xf32, #tpu.memory_space<vmem>> -> memref<128x128xf32, #tpu.memory_space<vmem>>
      %dma_start3A_674 = arith.constant 0 : i32
      %dma_start3A_675 = tpu.memref_slice %arg5[%add3A_667, %dma_start3A_674] : memref<200x128xi32, #tpu.memory_space<vmem>> -> memref<1x128xi32, #tpu.memory_space<vmem>>
      %dma_start3A_676 = tpu.memref_squeeze %dma_start3A_675 : memref<1x128xi32, #tpu.memory_space<vmem>> -> memref<128xi32, #tpu.memory_space<vmem>>
      %dma_start3A_677 = arith.constant 0 : i32
      %dma_start3A_678 = arith.constant 0 : i32
      %dma_start3A_679 = tpu.memref_slice %arg3[%dma_start3A_677, %dma_start3A_678] : memref<1000000x128xf32, #tpu.memory_space<hbm>> -> memref<1000000x128xf32, #tpu.memory_space<hbm>>
      %dma_start3A_680 = tpu.memref_slice %arg8[%dma_start3A_669] : memref<2x!tpu.dma_semaphore, #tpu.memory_space<semaphore_mem>> -> memref<1x!tpu.dma_semaphore, #tpu.memory_space<semaphore_mem>>
      %dma_start3A_681 = tpu.memref_squeeze %dma_start3A_680 : memref<1x!tpu.dma_semaphore, #tpu.memory_space<semaphore_mem>> -> memref<!tpu.dma_semaphore, #tpu.memory_space<semaphore_mem>>
      tpu.enqueue_indirect_dma source(%dma_start3A_679 : memref<1000000x128xf32, #tpu.memory_space<hbm>>) target(%dma_start3A_673 : memref<128x128xf32, #tpu.memory_space<vmem>>) offsets(%dma_start3A_676 : memref<128xi32, #tpu.memory_space<vmem>>) semaphore(%dma_start3A_681 : memref<!tpu.dma_semaphore, #tpu.memory_space<semaphore_mem>>)
    }
    %scan3A_198 = arith.constant 98 : i32
    %dma_wait3A_199 = arith.constant 0 : i32
    %dma_wait3A_200 = arith.constant 0 : i32
    %dma_wait3A_201 = arith.constant 0 : i32
    %dma_wait3A_202 = arith.constant 0 : i32
    %dma_wait3A_203 = arith.constant 0 : i32
    %dma_wait3A_204 = arith.constant 0 : i32
    %dma_wait3A_205 = arith.constant 0 : i32
    %dma_wait3A_206 = tpu.memref_slice %arg7[%dma_wait3A_199, %dma_wait3A_203, %dma_wait3A_204, %dma_wait3A_205] : memref<2x8x8x128xf32, #tpu.memory_space<vmem>> -> memref<1x8x8x128xf32, #tpu.memory_space<vmem>>
    %dma_wait3A_207 = tpu.memref_squeeze %dma_wait3A_206 : memref<1x8x8x128xf32, #tpu.memory_space<vmem>> -> memref<8x8x128xf32, #tpu.memory_space<vmem>>
    %dma_wait3A_208 = arith.constant 0 : i32
    %dma_wait3A_209 = arith.constant 0 : i32
    %dma_wait3A_210 = arith.constant 0 : i32
    %dma_wait3A_211 = tpu.memref_slice %arg4[%dma_wait3A_200, %dma_wait3A_208, %dma_wait3A_201, %dma_wait3A_209, %dma_wait3A_210] : memref<200x8x32x8x128xf32, #tpu.memory_space<hbm>> -> memref<1x8x1x8x128xf32, #tpu.memory_space<hbm>>
    %dma_wait3A_212 = tpu.memref_squeeze %dma_wait3A_211 : memref<1x8x1x8x128xf32, #tpu.memory_space<hbm>> -> memref<8x8x128xf32, #tpu.memory_space<hbm>>
    %dma_wait3A_213 = tpu.memref_slice %arg9[%dma_wait3A_202] : memref<2x!tpu.dma_semaphore, #tpu.memory_space<semaphore_mem>> -> memref<1x!tpu.dma_semaphore, #tpu.memory_space<semaphore_mem>>
    %dma_wait3A_214 = tpu.memref_squeeze %dma_wait3A_213 : memref<1x!tpu.dma_semaphore, #tpu.memory_space<semaphore_mem>> -> memref<!tpu.dma_semaphore, #tpu.memory_space<semaphore_mem>>
    %dma_wait3A_215 = arith.constant 0 : i32
    %dma_wait3A_216 = arith.constant 0 : i32
    %dma_wait3A_217 = arith.constant 0 : i32
    %dma_wait3A_218 = tpu.memref_slice %arg4[%dma_wait3A_200, %dma_wait3A_215, %dma_wait3A_201, %dma_wait3A_216, %dma_wait3A_217] : memref<200x8x32x8x128xf32, #tpu.memory_space<hbm>> -> memref<1x8x1x8x128xf32, #tpu.memory_space<hbm>>
    %dma_wait3A_219 = tpu.memref_squeeze %dma_wait3A_218 : memref<1x8x1x8x128xf32, #tpu.memory_space<hbm>> -> memref<8x8x128xf32, #tpu.memory_space<hbm>>
    %dma_wait3A_220 = arith.constant 0 : i32
    %dma_wait3A_221 = arith.constant 0 : i32
    %dma_wait3A_222 = arith.constant 0 : i32
    %dma_wait3A_223 = tpu.memref_slice %arg7[%dma_wait3A_199, %dma_wait3A_220, %dma_wait3A_221, %dma_wait3A_222] : memref<2x8x8x128xf32, #tpu.memory_space<vmem>> -> memref<1x8x8x128xf32, #tpu.memory_space<vmem>>
    %dma_wait3A_224 = tpu.memref_squeeze %dma_wait3A_223 : memref<1x8x8x128xf32, #tpu.memory_space<vmem>> -> memref<8x8x128xf32, #tpu.memory_space<vmem>>
    tpu.wait_dma2 semaphore(%dma_wait3A_214 : memref<!tpu.dma_semaphore, #tpu.memory_space<semaphore_mem>>) src(%dma_wait3A_224 : memref<8x8x128xf32, #tpu.memory_space<vmem>>) dst(%dma_wait3A_219 : memref<8x8x128xf32, #tpu.memory_space<hbm>>)
    %dma_wait3A_225 = arith.constant 0 : i32
    %dma_wait3A_226 = arith.constant 0 : i32
    %dma_wait3A_227 = arith.constant 0 : i32
    %dma_wait3A_228 = arith.constant 0 : i32
    %dma_wait3A_229 = arith.constant 0 : i32
    %dma_wait3A_230 = tpu.memref_slice %arg6[%dma_wait3A_226, %dma_wait3A_228, %dma_wait3A_229] : memref<2x128x128xf32, #tpu.memory_space<vmem>> -> memref<1x128x128xf32, #tpu.memory_space<vmem>>
    %dma_wait3A_231 = tpu.memref_squeeze %dma_wait3A_230 : memref<1x128x128xf32, #tpu.memory_space<vmem>> -> memref<128x128xf32, #tpu.memory_space<vmem>>
    %dma_wait3A_232 = arith.constant 0 : i32
    %dma_wait3A_233 = tpu.memref_slice %arg5[%dma_wait3A_225, %dma_wait3A_232] : memref<200x128xi32, #tpu.memory_space<vmem>> -> memref<1x128xi32, #tpu.memory_space<vmem>>
    %dma_wait3A_234 = tpu.memref_squeeze %dma_wait3A_233 : memref<1x128xi32, #tpu.memory_space<vmem>> -> memref<128xi32, #tpu.memory_space<vmem>>
    %dma_wait3A_235 = arith.constant 0 : i32
    %dma_wait3A_236 = arith.constant 0 : i32
    %dma_wait3A_237 = tpu.memref_slice %arg3[%dma_wait3A_235, %dma_wait3A_236] : memref<1000000x128xf32, #tpu.memory_space<hbm>> -> memref<1000000x128xf32, #tpu.memory_space<hbm>>
    %dma_wait3A_238 = tpu.memref_slice %arg8[%dma_wait3A_227] : memref<2x!tpu.dma_semaphore, #tpu.memory_space<semaphore_mem>> -> memref<1x!tpu.dma_semaphore, #tpu.memory_space<semaphore_mem>>
    %dma_wait3A_239 = tpu.memref_squeeze %dma_wait3A_238 : memref<1x!tpu.dma_semaphore, #tpu.memory_space<semaphore_mem>> -> memref<!tpu.dma_semaphore, #tpu.memory_space<semaphore_mem>>
    tpu.wait_indirect_dma semaphore(%dma_wait3A_239 : memref<!tpu.dma_semaphore, #tpu.memory_space<semaphore_mem>>) src(%dma_wait3A_237 : memref<1000000x128xf32, #tpu.memory_space<hbm>>) dst(%dma_wait3A_231 : memref<128x128xf32, #tpu.memory_space<vmem>>)
    %parallel_loop3A_240 = arith.constant 0 : i32
    %parallel_loop3A_241 = arith.constant 8 : i32
    %parallel_loop3A_242 = arith.constant 1 : i32
    scf.for %parallel_loop3A_443 = %parallel_loop3A_240 to %parallel_loop3A_241 step %parallel_loop3A_242  : i32 {
      %parallel_loop3A_444 = arith.constant 16 : i32
      %parallel_loop3A_445 = arith.muli %parallel_loop3A_443, %parallel_loop3A_444 : i32
      %parallel_loop3A_446 = vector.broadcast %parallel_loop3A_445 : i32 to vector<16xi32>
      %parallel_loop3A_447 = arith.addi %iota3A, %parallel_loop3A_446 : vector<16xi32>
      %parallel_loop3A_448 = arith.constant 0 : i32
      %parallel_loop3A_449 = arith.constant 16 : i32
      %parallel_loop3A_450 = arith.constant 1 : i32
      scf.for %parallel_loop3A_451 = %parallel_loop3A_448 to %parallel_loop3A_449 step %parallel_loop3A_450  : i32 {
        %parallel_loop3A_452 = vector.broadcast %parallel_loop3A_451 : i32 to vector<16xi32>
        %parallel_loop3A_453 = arith.addi %iota3A, %parallel_loop3A_452 : vector<16xi32>
        %parallel_loop3A_454 = arith.constant 15 : i32
        %parallel_loop3A_455 = vector.broadcast %parallel_loop3A_454 : i32 to vector<16xi32>
        %parallel_loop3A_456 = arith.andi %parallel_loop3A_453, %parallel_loop3A_455 : vector<16xi32>
        %parallel_loop3A_457 = arith.constant 3 : i32
        %parallel_loop3A_458 = vector.broadcast %parallel_loop3A_457 : i32 to vector<16xi32>
        %parallel_loop3A_459 = arith.shrui %parallel_loop3A_456, %parallel_loop3A_458 : vector<16xi32>
        %parallel_loop3A_460 = arith.constant 7 : i32
        %parallel_loop3A_461 = vector.broadcast %parallel_loop3A_460 : i32 to vector<16xi32>
        %parallel_loop3A_462 = arith.andi %parallel_loop3A_456, %parallel_loop3A_461 : vector<16xi32>
        %parallel_loop3A_463 = arith.constant 0 : i32
        %parallel_loop3A_464 = vector.broadcast %parallel_loop3A_463 : i32 to vector<16xi32>
        %parallel_loop3A_465 = arith.addi %parallel_loop3A_464, %parallel_loop3A_456 : vector<16xi32>
        %parallel_loop3A_466 = tpu.vector_load_idx %arg6[%broadcast_in_dim3A_3, %parallel_loop3A_447, %parallel_loop3A_465] : memref<2x128x128xf32, #tpu.memory_space<vmem>>[vector<16xi32>, vector<16xi32>, vector<16xi32>], vector<16xf32>,
        %parallel_loop3A_467 = arith.constant 8.000000e+00 : f32
        %parallel_loop3A_468 = vector.broadcast %parallel_loop3A_467 : f32 to vector<16xf32>
        %parallel_loop3A_469 = arith.mulf %parallel_loop3A_466, %parallel_loop3A_468 : vector<16xf32>
        %parallel_loop3A_470 = arith.constant 0 : i32
        %parallel_loop3A_471 = vector.broadcast %parallel_loop3A_470 : i32 to vector<16xi32>
        %parallel_loop3A_472 = arith.addi %parallel_loop3A_459, %parallel_loop3A_471 : vector<16xi32>
        tpu.vector_store_idx %arg7[%broadcast_in_dim3A_3, %parallel_loop3A_472, %parallel_loop3A_462, %parallel_loop3A_447], %parallel_loop3A_469 : memref<2x8x8x128xf32, #tpu.memory_space<vmem>>[vector<16xi32>, vector<16xi32>, vector<16xi32>, vector<16xi32>], vector<16xf32>,
        %parallel_loop3A_473 = arith.constant 16 : i32
        %parallel_loop3A_474 = vector.broadcast %parallel_loop3A_473 : i32 to vector<16xi32>
        %parallel_loop3A_475 = arith.addi %parallel_loop3A_474, %parallel_loop3A_456 : vector<16xi32>
        %parallel_loop3A_476 = tpu.vector_load_idx %arg6[%broadcast_in_dim3A_3, %parallel_loop3A_447, %parallel_loop3A_475] : memref<2x128x128xf32, #tpu.memory_space<vmem>>[vector<16xi32>, vector<16xi32>, vector<16xi32>], vector<16xf32>,
        %parallel_loop3A_477 = arith.constant 8.000000e+00 : f32
        %parallel_loop3A_478 = vector.broadcast %parallel_loop3A_477 : f32 to vector<16xf32>
        %parallel_loop3A_479 = arith.mulf %parallel_loop3A_476, %parallel_loop3A_478 : vector<16xf32>
        %parallel_loop3A_480 = arith.constant 2 : i32
        %parallel_loop3A_481 = vector.broadcast %parallel_loop3A_480 : i32 to vector<16xi32>
        %parallel_loop3A_482 = arith.addi %parallel_loop3A_459, %parallel_loop3A_481 : vector<16xi32>
        tpu.vector_store_idx %arg7[%broadcast_in_dim3A_3, %parallel_loop3A_482, %parallel_loop3A_462, %parallel_loop3A_447], %parallel_loop3A_479 : memref<2x8x8x128xf32, #tpu.memory_space<vmem>>[vector<16xi32>, vector<16xi32>, vector<16xi32>, vector<16xi32>], vector<16xf32>,
        %parallel_loop3A_483 = arith.constant 32 : i32
        %parallel_loop3A_484 = vector.broadcast %parallel_loop3A_483 : i32 to vector<16xi32>
        %parallel_loop3A_485 = arith.addi %parallel_loop3A_484, %parallel_loop3A_456 : vector<16xi32>
        %parallel_loop3A_486 = tpu.vector_load_idx %arg6[%broadcast_in_dim3A_3, %parallel_loop3A_447, %parallel_loop3A_485] : memref<2x128x128xf32, #tpu.memory_space<vmem>>[vector<16xi32>, vector<16xi32>, vector<16xi32>], vector<16xf32>,
        %parallel_loop3A_487 = arith.constant 8.000000e+00 : f32
        %parallel_loop3A_488 = vector.broadcast %parallel_loop3A_487 : f32 to vector<16xf32>
        %parallel_loop3A_489 = arith.mulf %parallel_loop3A_486, %parallel_loop3A_488 : vector<16xf32>
        %parallel_loop3A_490 = arith.constant 4 : i32
        %parallel_loop3A_491 = vector.broadcast %parallel_loop3A_490 : i32 to vector<16xi32>
        %parallel_loop3A_492 = arith.addi %parallel_loop3A_459, %parallel_loop3A_491 : vector<16xi32>
        tpu.vector_store_idx %arg7[%broadcast_in_dim3A_3, %parallel_loop3A_492, %parallel_loop3A_462, %parallel_loop3A_447], %parallel_loop3A_489 : memref<2x8x8x128xf32, #tpu.memory_space<vmem>>[vector<16xi32>, vector<16xi32>, vector<16xi32>, vector<16xi32>], vector<16xf32>,
        %parallel_loop3A_493 = arith.constant 48 : i32
        %parallel_loop3A_494 = vector.broadcast %parallel_loop3A_493 : i32 to vector<16xi32>
        %parallel_loop3A_495 = arith.addi %parallel_loop3A_494, %parallel_loop3A_456 : vector<16xi32>
        %parallel_loop3A_496 = tpu.vector_load_idx %arg6[%broadcast_in_dim3A_3, %parallel_loop3A_447, %parallel_loop3A_495] : memref<2x128x128xf32, #tpu.memory_space<vmem>>[vector<16xi32>, vector<16xi32>, vector<16xi32>], vector<16xf32>,
        %parallel_loop3A_497 = arith.constant 8.000000e+00 : f32
        %parallel_loop3A_498 = vector.broadcast %parallel_loop3A_497 : f32 to vector<16xf32>
        %parallel_loop3A_499 = arith.mulf %parallel_loop3A_496, %parallel_loop3A_498 : vector<16xf32>
        %parallel_loop3A_500 = arith.constant 6 : i32
        %parallel_loop3A_501 = vector.broadcast %parallel_loop3A_500 : i32 to vector<16xi32>
        %parallel_loop3A_502 = arith.addi %parallel_loop3A_459, %parallel_loop3A_501 : vector<16xi32>
        tpu.vector_store_idx %arg7[%broadcast_in_dim3A_3, %parallel_loop3A_502, %parallel_loop3A_462, %parallel_loop3A_447], %parallel_loop3A_499 : memref<2x8x8x128xf32, #tpu.memory_space<vmem>>[vector<16xi32>, vector<16xi32>, vector<16xi32>, vector<16xi32>], vector<16xf32>,
      } {sc.loop_unroll_factor = 2 : i64, sc.parallel_access}
    } {sc.loop_unroll_factor = 1 : i64, sc.parallel_access}
    %add3A_243 = arith.constant 198 : i32
    %add3A_244 = arith.addi %mul3A_2, %add3A_243 : i32
    %jit3A_245 = arith.constant 32 : i32
    %div3A_246 = arith.divsi %add3A_244, %jit3A_245 : i32
    %sign3A_247 = arith.constant 0 : i32
    %sign3A_248 = arith.cmpi sgt, %add3A_244, %sign3A_247 : i32
    %sign3A_249 = arith.extui %sign3A_248 : i1 to i32
    %sign3A_250 = arith.constant 0 : i32
    %sign3A_251 = arith.cmpi slt, %add3A_244, %sign3A_250 : i32
    %sign3A_252 = arith.extui %sign3A_251 : i1 to i32
    %sign3A_253 = arith.subi %sign3A_249, %sign3A_252 : i32
    %sign3A_254 = arith.constant 0 : i32
    %sign3A_255 = arith.cmpi sgt, %jit3A_245, %sign3A_254 : i32
    %sign3A_256 = arith.extui %sign3A_255 : i1 to i32
    %sign3A_257 = arith.constant 0 : i32
    %sign3A_258 = arith.cmpi slt, %jit3A_245, %sign3A_257 : i32
    %sign3A_259 = arith.extui %sign3A_258 : i1 to i32
    %sign3A_260 = arith.subi %sign3A_256, %sign3A_259 : i32
    %ne3A_261 = arith.cmpi ne, %sign3A_253, %sign3A_260 : i32
    %rem3A_262 = arith.remsi %add3A_244, %jit3A_245 : i32
    %ne3A_263 = arith.constant 0 : i32
    %ne3A_264 = arith.cmpi ne, %rem3A_262, %ne3A_263 : i32
    %and3A_265 = arith.andi %ne3A_261, %ne3A_264 : i1
    %sub3A_266 = arith.constant 1 : i32
    %sub3A_267 = arith.subi %div3A_246, %sub3A_266 : i32
    %select_n3A_268 = arith.select %and3A_265, %sub3A_267, %div3A_246 : i32
    %rem3A_269 = arith.constant 32 : i32
    %rem3A_270 = arith.remsi %add3A_244, %rem3A_269 : i32
    %dma_start3A_271 = arith.constant 0 : i32
    %dma_start3A_272 = arith.constant 0 : i32
    %dma_start3A_273 = arith.constant 0 : i32
    %dma_start3A_274 = arith.constant 0 : i32
    %dma_start3A_275 = arith.constant 0 : i32
    %dma_start3A_276 = tpu.memref_slice %arg7[%dma_start3A_271, %dma_start3A_273, %dma_start3A_274, %dma_start3A_275] : memref<2x8x8x128xf32, #tpu.memory_space<vmem>> -> memref<1x8x8x128xf32, #tpu.memory_space<vmem>>
    %dma_start3A_277 = tpu.memref_squeeze %dma_start3A_276 : memref<1x8x8x128xf32, #tpu.memory_space<vmem>> -> memref<8x8x128xf32, #tpu.memory_space<vmem>>
    %dma_start3A_278 = arith.constant 0 : i32
    %dma_start3A_279 = arith.constant 0 : i32
    %dma_start3A_280 = arith.constant 0 : i32
    %dma_start3A_281 = tpu.memref_slice %arg4[%select_n3A_268, %dma_start3A_278, %rem3A_270, %dma_start3A_279, %dma_start3A_280] : memref<200x8x32x8x128xf32, #tpu.memory_space<hbm>> -> memref<1x8x1x8x128xf32, #tpu.memory_space<hbm>>
    %dma_start3A_282 = tpu.memref_squeeze %dma_start3A_281 : memref<1x8x1x8x128xf32, #tpu.memory_space<hbm>> -> memref<8x8x128xf32, #tpu.memory_space<hbm>>
    %dma_start3A_283 = tpu.memref_slice %arg9[%dma_start3A_272] : memref<2x!tpu.dma_semaphore, #tpu.memory_space<semaphore_mem>> -> memref<1x!tpu.dma_semaphore, #tpu.memory_space<semaphore_mem>>
    %dma_start3A_284 = tpu.memref_squeeze %dma_start3A_283 : memref<1x!tpu.dma_semaphore, #tpu.memory_space<semaphore_mem>> -> memref<!tpu.dma_semaphore, #tpu.memory_space<semaphore_mem>>
    %dma_start3A_285 = arith.constant 0 : i32
    %dma_start3A_286 = arith.constant 0 : i32
    %dma_start3A_287 = arith.constant 0 : i32
    %dma_start3A_288 = tpu.memref_slice %arg4[%select_n3A_268, %dma_start3A_285, %rem3A_270, %dma_start3A_286, %dma_start3A_287] : memref<200x8x32x8x128xf32, #tpu.memory_space<hbm>> -> memref<1x8x1x8x128xf32, #tpu.memory_space<hbm>>
    %dma_start3A_289 = tpu.memref_squeeze %dma_start3A_288 : memref<1x8x1x8x128xf32, #tpu.memory_space<hbm>> -> memref<8x8x128xf32, #tpu.memory_space<hbm>>
    %dma_start3A_290 = arith.constant 0 : i32
    %dma_start3A_291 = arith.constant 0 : i32
    %dma_start3A_292 = arith.constant 0 : i32
    %dma_start3A_293 = tpu.memref_slice %arg7[%dma_start3A_271, %dma_start3A_290, %dma_start3A_291, %dma_start3A_292] : memref<2x8x8x128xf32, #tpu.memory_space<vmem>> -> memref<1x8x8x128xf32, #tpu.memory_space<vmem>>
    %dma_start3A_294 = tpu.memref_squeeze %dma_start3A_293 : memref<1x8x8x128xf32, #tpu.memory_space<vmem>> -> memref<8x8x128xf32, #tpu.memory_space<vmem>>
    tpu.enqueue_dma source(%dma_start3A_294 : memref<8x8x128xf32, #tpu.memory_space<vmem>>) target(%dma_start3A_289 : memref<8x8x128xf32, #tpu.memory_space<hbm>>) target_semaphore(%dma_start3A_284 : memref<!tpu.dma_semaphore, #tpu.memory_space<semaphore_mem>>)
    %dma_wait3A_295 = arith.constant 1 : i32
    %dma_wait3A_296 = arith.constant 0 : i32
    %dma_wait3A_297 = arith.constant 0 : i32
    %dma_wait3A_298 = arith.constant 1 : i32
    %dma_wait3A_299 = arith.constant 0 : i32
    %dma_wait3A_300 = arith.constant 0 : i32
    %dma_wait3A_301 = arith.constant 0 : i32
    %dma_wait3A_302 = tpu.memref_slice %arg7[%dma_wait3A_295, %dma_wait3A_299, %dma_wait3A_300, %dma_wait3A_301] : memref<2x8x8x128xf32, #tpu.memory_space<vmem>> -> memref<1x8x8x128xf32, #tpu.memory_space<vmem>>
    %dma_wait3A_303 = tpu.memref_squeeze %dma_wait3A_302 : memref<1x8x8x128xf32, #tpu.memory_space<vmem>> -> memref<8x8x128xf32, #tpu.memory_space<vmem>>
    %dma_wait3A_304 = arith.constant 0 : i32
    %dma_wait3A_305 = arith.constant 0 : i32
    %dma_wait3A_306 = arith.constant 0 : i32
    %dma_wait3A_307 = tpu.memref_slice %arg4[%dma_wait3A_296, %dma_wait3A_304, %dma_wait3A_297, %dma_wait3A_305, %dma_wait3A_306] : memref<200x8x32x8x128xf32, #tpu.memory_space<hbm>> -> memref<1x8x1x8x128xf32, #tpu.memory_space<hbm>>
    %dma_wait3A_308 = tpu.memref_squeeze %dma_wait3A_307 : memref<1x8x1x8x128xf32, #tpu.memory_space<hbm>> -> memref<8x8x128xf32, #tpu.memory_space<hbm>>
    %dma_wait3A_309 = tpu.memref_slice %arg9[%dma_wait3A_298] : memref<2x!tpu.dma_semaphore, #tpu.memory_space<semaphore_mem>> -> memref<1x!tpu.dma_semaphore, #tpu.memory_space<semaphore_mem>>
    %dma_wait3A_310 = tpu.memref_squeeze %dma_wait3A_309 : memref<1x!tpu.dma_semaphore, #tpu.memory_space<semaphore_mem>> -> memref<!tpu.dma_semaphore, #tpu.memory_space<semaphore_mem>>
    %dma_wait3A_311 = arith.constant 0 : i32
    %dma_wait3A_312 = arith.constant 0 : i32
    %dma_wait3A_313 = arith.constant 0 : i32
    %dma_wait3A_314 = tpu.memref_slice %arg4[%dma_wait3A_296, %dma_wait3A_311, %dma_wait3A_297, %dma_wait3A_312, %dma_wait3A_313] : memref<200x8x32x8x128xf32, #tpu.memory_space<hbm>> -> memref<1x8x1x8x128xf32, #tpu.memory_space<hbm>>
    %dma_wait3A_315 = tpu.memref_squeeze %dma_wait3A_314 : memref<1x8x1x8x128xf32, #tpu.memory_space<hbm>> -> memref<8x8x128xf32, #tpu.memory_space<hbm>>
    %dma_wait3A_316 = arith.constant 0 : i32
    %dma_wait3A_317 = arith.constant 0 : i32
    %dma_wait3A_318 = arith.constant 0 : i32
    %dma_wait3A_319 = tpu.memref_slice %arg7[%dma_wait3A_295, %dma_wait3A_316, %dma_wait3A_317, %dma_wait3A_318] : memref<2x8x8x128xf32, #tpu.memory_space<vmem>> -> memref<1x8x8x128xf32, #tpu.memory_space<vmem>>
    %dma_wait3A_320 = tpu.memref_squeeze %dma_wait3A_319 : memref<1x8x8x128xf32, #tpu.memory_space<vmem>> -> memref<8x8x128xf32, #tpu.memory_space<vmem>>
    tpu.wait_dma2 semaphore(%dma_wait3A_310 : memref<!tpu.dma_semaphore, #tpu.memory_space<semaphore_mem>>) src(%dma_wait3A_320 : memref<8x8x128xf32, #tpu.memory_space<vmem>>) dst(%dma_wait3A_315 : memref<8x8x128xf32, #tpu.memory_space<hbm>>)
    %dma_wait3A_321 = arith.constant 0 : i32
    %dma_wait3A_322 = arith.constant 1 : i32
    %dma_wait3A_323 = arith.constant 1 : i32
    %dma_wait3A_324 = arith.constant 0 : i32
    %dma_wait3A_325 = arith.constant 0 : i32
    %dma_wait3A_326 = tpu.memref_slice %arg6[%dma_wait3A_322, %dma_wait3A_324, %dma_wait3A_325] : memref<2x128x128xf32, #tpu.memory_space<vmem>> -> memref<1x128x128xf32, #tpu.memory_space<vmem>>
    %dma_wait3A_327 = tpu.memref_squeeze %dma_wait3A_326 : memref<1x128x128xf32, #tpu.memory_space<vmem>> -> memref<128x128xf32, #tpu.memory_space<vmem>>
    %dma_wait3A_328 = arith.constant 0 : i32
    %dma_wait3A_329 = tpu.memref_slice %arg5[%dma_wait3A_321, %dma_wait3A_328] : memref<200x128xi32, #tpu.memory_space<vmem>> -> memref<1x128xi32, #tpu.memory_space<vmem>>
    %dma_wait3A_330 = tpu.memref_squeeze %dma_wait3A_329 : memref<1x128xi32, #tpu.memory_space<vmem>> -> memref<128xi32, #tpu.memory_space<vmem>>
    %dma_wait3A_331 = arith.constant 0 : i32
    %dma_wait3A_332 = arith.constant 0 : i32
    %dma_wait3A_333 = tpu.memref_slice %arg3[%dma_wait3A_331, %dma_wait3A_332] : memref<1000000x128xf32, #tpu.memory_space<hbm>> -> memref<1000000x128xf32, #tpu.memory_space<hbm>>
    %dma_wait3A_334 = tpu.memref_slice %arg8[%dma_wait3A_323] : memref<2x!tpu.dma_semaphore, #tpu.memory_space<semaphore_mem>> -> memref<1x!tpu.dma_semaphore, #tpu.memory_space<semaphore_mem>>
    %dma_wait3A_335 = tpu.memref_squeeze %dma_wait3A_334 : memref<1x!tpu.dma_semaphore, #tpu.memory_space<semaphore_mem>> -> memref<!tpu.dma_semaphore, #tpu.memory_space<semaphore_mem>>
    tpu.wait_indirect_dma semaphore(%dma_wait3A_335 : memref<!tpu.dma_semaphore, #tpu.memory_space<semaphore_mem>>) src(%dma_wait3A_333 : memref<1000000x128xf32, #tpu.memory_space<hbm>>) dst(%dma_wait3A_327 : memref<128x128xf32, #tpu.memory_space<vmem>>)
    %parallel_loop3A_336 = arith.constant 0 : i32
    %parallel_loop3A_337 = arith.constant 8 : i32
    %parallel_loop3A_338 = arith.constant 1 : i32
    scf.for %parallel_loop3A_443 = %parallel_loop3A_336 to %parallel_loop3A_337 step %parallel_loop3A_338  : i32 {
      %parallel_loop3A_444 = arith.constant 16 : i32
      %parallel_loop3A_445 = arith.muli %parallel_loop3A_443, %parallel_loop3A_444 : i32
      %parallel_loop3A_446 = vector.broadcast %parallel_loop3A_445 : i32 to vector<16xi32>
      %parallel_loop3A_447 = arith.addi %iota3A, %parallel_loop3A_446 : vector<16xi32>
      %parallel_loop3A_448 = arith.constant 0 : i32
      %parallel_loop3A_449 = arith.constant 16 : i32
      %parallel_loop3A_450 = arith.constant 1 : i32
      scf.for %parallel_loop3A_451 = %parallel_loop3A_448 to %parallel_loop3A_449 step %parallel_loop3A_450  : i32 {
        %parallel_loop3A_452 = vector.broadcast %parallel_loop3A_451 : i32 to vector<16xi32>
        %parallel_loop3A_453 = arith.addi %iota3A, %parallel_loop3A_452 : vector<16xi32>
        %parallel_loop3A_454 = arith.constant 15 : i32
        %parallel_loop3A_455 = vector.broadcast %parallel_loop3A_454 : i32 to vector<16xi32>
        %parallel_loop3A_456 = arith.andi %parallel_loop3A_453, %parallel_loop3A_455 : vector<16xi32>
        %parallel_loop3A_457 = arith.constant 3 : i32
        %parallel_loop3A_458 = vector.broadcast %parallel_loop3A_457 : i32 to vector<16xi32>
        %parallel_loop3A_459 = arith.shrui %parallel_loop3A_456, %parallel_loop3A_458 : vector<16xi32>
        %parallel_loop3A_460 = arith.constant 7 : i32
        %parallel_loop3A_461 = vector.broadcast %parallel_loop3A_460 : i32 to vector<16xi32>
        %parallel_loop3A_462 = arith.andi %parallel_loop3A_456, %parallel_loop3A_461 : vector<16xi32>
        %parallel_loop3A_463 = arith.constant 0 : i32
        %parallel_loop3A_464 = vector.broadcast %parallel_loop3A_463 : i32 to vector<16xi32>
        %parallel_loop3A_465 = arith.addi %parallel_loop3A_464, %parallel_loop3A_456 : vector<16xi32>
        %parallel_loop3A_466 = tpu.vector_load_idx %arg6[%broadcast_in_dim3A_5, %parallel_loop3A_447, %parallel_loop3A_465] : memref<2x128x128xf32, #tpu.memory_space<vmem>>[vector<16xi32>, vector<16xi32>, vector<16xi32>], vector<16xf32>,
        %parallel_loop3A_467 = arith.constant 8.000000e+00 : f32
        %parallel_loop3A_468 = vector.broadcast %parallel_loop3A_467 : f32 to vector<16xf32>
        %parallel_loop3A_469 = arith.mulf %parallel_loop3A_466, %parallel_loop3A_468 : vector<16xf32>
        %parallel_loop3A_470 = arith.constant 0 : i32
        %parallel_loop3A_471 = vector.broadcast %parallel_loop3A_470 : i32 to vector<16xi32>
        %parallel_loop3A_472 = arith.addi %parallel_loop3A_459, %parallel_loop3A_471 : vector<16xi32>
        tpu.vector_store_idx %arg7[%broadcast_in_dim3A_5, %parallel_loop3A_472, %parallel_loop3A_462, %parallel_loop3A_447], %parallel_loop3A_469 : memref<2x8x8x128xf32, #tpu.memory_space<vmem>>[vector<16xi32>, vector<16xi32>, vector<16xi32>, vector<16xi32>], vector<16xf32>,
        %parallel_loop3A_473 = arith.constant 16 : i32
        %parallel_loop3A_474 = vector.broadcast %parallel_loop3A_473 : i32 to vector<16xi32>
        %parallel_loop3A_475 = arith.addi %parallel_loop3A_474, %parallel_loop3A_456 : vector<16xi32>
        %parallel_loop3A_476 = tpu.vector_load_idx %arg6[%broadcast_in_dim3A_5, %parallel_loop3A_447, %parallel_loop3A_475] : memref<2x128x128xf32, #tpu.memory_space<vmem>>[vector<16xi32>, vector<16xi32>, vector<16xi32>], vector<16xf32>,
        %parallel_loop3A_477 = arith.constant 8.000000e+00 : f32
        %parallel_loop3A_478 = vector.broadcast %parallel_loop3A_477 : f32 to vector<16xf32>
        %parallel_loop3A_479 = arith.mulf %parallel_loop3A_476, %parallel_loop3A_478 : vector<16xf32>
        %parallel_loop3A_480 = arith.constant 2 : i32
        %parallel_loop3A_481 = vector.broadcast %parallel_loop3A_480 : i32 to vector<16xi32>
        %parallel_loop3A_482 = arith.addi %parallel_loop3A_459, %parallel_loop3A_481 : vector<16xi32>
        tpu.vector_store_idx %arg7[%broadcast_in_dim3A_5, %parallel_loop3A_482, %parallel_loop3A_462, %parallel_loop3A_447], %parallel_loop3A_479 : memref<2x8x8x128xf32, #tpu.memory_space<vmem>>[vector<16xi32>, vector<16xi32>, vector<16xi32>, vector<16xi32>], vector<16xf32>,
        %parallel_loop3A_483 = arith.constant 32 : i32
        %parallel_loop3A_484 = vector.broadcast %parallel_loop3A_483 : i32 to vector<16xi32>
        %parallel_loop3A_485 = arith.addi %parallel_loop3A_484, %parallel_loop3A_456 : vector<16xi32>
        %parallel_loop3A_486 = tpu.vector_load_idx %arg6[%broadcast_in_dim3A_5, %parallel_loop3A_447, %parallel_loop3A_485] : memref<2x128x128xf32, #tpu.memory_space<vmem>>[vector<16xi32>, vector<16xi32>, vector<16xi32>], vector<16xf32>,
        %parallel_loop3A_487 = arith.constant 8.000000e+00 : f32
        %parallel_loop3A_488 = vector.broadcast %parallel_loop3A_487 : f32 to vector<16xf32>
        %parallel_loop3A_489 = arith.mulf %parallel_loop3A_486, %parallel_loop3A_488 : vector<16xf32>
        %parallel_loop3A_490 = arith.constant 4 : i32
        %parallel_loop3A_491 = vector.broadcast %parallel_loop3A_490 : i32 to vector<16xi32>
        %parallel_loop3A_492 = arith.addi %parallel_loop3A_459, %parallel_loop3A_491 : vector<16xi32>
        tpu.vector_store_idx %arg7[%broadcast_in_dim3A_5, %parallel_loop3A_492, %parallel_loop3A_462, %parallel_loop3A_447], %parallel_loop3A_489 : memref<2x8x8x128xf32, #tpu.memory_space<vmem>>[vector<16xi32>, vector<16xi32>, vector<16xi32>, vector<16xi32>], vector<16xf32>,
        %parallel_loop3A_493 = arith.constant 48 : i32
        %parallel_loop3A_494 = vector.broadcast %parallel_loop3A_493 : i32 to vector<16xi32>
        %parallel_loop3A_495 = arith.addi %parallel_loop3A_494, %parallel_loop3A_456 : vector<16xi32>
        %parallel_loop3A_496 = tpu.vector_load_idx %arg6[%broadcast_in_dim3A_5, %parallel_loop3A_447, %parallel_loop3A_495] : memref<2x128x128xf32, #tpu.memory_space<vmem>>[vector<16xi32>, vector<16xi32>, vector<16xi32>], vector<16xf32>,
        %parallel_loop3A_497 = arith.constant 8.000000e+00 : f32
        %parallel_loop3A_498 = vector.broadcast %parallel_loop3A_497 : f32 to vector<16xf32>
        %parallel_loop3A_499 = arith.mulf %parallel_loop3A_496, %parallel_loop3A_498 : vector<16xf32>
        %parallel_loop3A_500 = arith.constant 6 : i32
        %parallel_loop3A_501 = vector.broadcast %parallel_loop3A_500 : i32 to vector<16xi32>
        %parallel_loop3A_502 = arith.addi %parallel_loop3A_459, %parallel_loop3A_501 : vector<16xi32>
        tpu.vector_store_idx %arg7[%broadcast_in_dim3A_5, %parallel_loop3A_502, %parallel_loop3A_462, %parallel_loop3A_447], %parallel_loop3A_499 : memref<2x8x8x128xf32, #tpu.memory_space<vmem>>[vector<16xi32>, vector<16xi32>, vector<16xi32>, vector<16xi32>], vector<16xf32>,
      } {sc.loop_unroll_factor = 2 : i64, sc.parallel_access}
    } {sc.loop_unroll_factor = 1 : i64, sc.parallel_access}
    %add3A_339 = arith.constant 199 : i32
    %add3A_340 = arith.addi %mul3A_2, %add3A_339 : i32
    %jit3A_341 = arith.constant 32 : i32
    %div3A_342 = arith.divsi %add3A_340, %jit3A_341 : i32
    %sign3A_343 = arith.constant 0 : i32
    %sign3A_344 = arith.cmpi sgt, %add3A_340, %sign3A_343 : i32
    %sign3A_345 = arith.extui %sign3A_344 : i1 to i32
    %sign3A_346 = arith.constant 0 : i32
    %sign3A_347 = arith.cmpi slt, %add3A_340, %sign3A_346 : i32
    %sign3A_348 = arith.extui %sign3A_347 : i1 to i32
    %sign3A_349 = arith.subi %sign3A_345, %sign3A_348 : i32
    %sign3A_350 = arith.constant 0 : i32
    %sign3A_351 = arith.cmpi sgt, %jit3A_341, %sign3A_350 : i32
    %sign3A_352 = arith.extui %sign3A_351 : i1 to i32
    %sign3A_353 = arith.constant 0 : i32
    %sign3A_354 = arith.cmpi slt, %jit3A_341, %sign3A_353 : i32
    %sign3A_355 = arith.extui %sign3A_354 : i1 to i32
    %sign3A_356 = arith.subi %sign3A_352, %sign3A_355 : i32
    %ne3A_357 = arith.cmpi ne, %sign3A_349, %sign3A_356 : i32
    %rem3A_358 = arith.remsi %add3A_340, %jit3A_341 : i32
    %ne3A_359 = arith.constant 0 : i32
    %ne3A_360 = arith.cmpi ne, %rem3A_358, %ne3A_359 : i32
    %and3A_361 = arith.andi %ne3A_357, %ne3A_360 : i1
    %sub3A_362 = arith.constant 1 : i32
    %sub3A_363 = arith.subi %div3A_342, %sub3A_362 : i32
    %select_n3A_364 = arith.select %and3A_361, %sub3A_363, %div3A_342 : i32
    %rem3A_365 = arith.constant 32 : i32
    %rem3A_366 = arith.remsi %add3A_340, %rem3A_365 : i32
    %dma_start3A_367 = arith.constant 1 : i32
    %dma_start3A_368 = arith.constant 1 : i32
    %dma_start3A_369 = arith.constant 0 : i32
    %dma_start3A_370 = arith.constant 0 : i32
    %dma_start3A_371 = arith.constant 0 : i32
    %dma_start3A_372 = tpu.memref_slice %arg7[%dma_start3A_367, %dma_start3A_369, %dma_start3A_370, %dma_start3A_371] : memref<2x8x8x128xf32, #tpu.memory_space<vmem>> -> memref<1x8x8x128xf32, #tpu.memory_space<vmem>>
    %dma_start3A_373 = tpu.memref_squeeze %dma_start3A_372 : memref<1x8x8x128xf32, #tpu.memory_space<vmem>> -> memref<8x8x128xf32, #tpu.memory_space<vmem>>
    %dma_start3A_374 = arith.constant 0 : i32
    %dma_start3A_375 = arith.constant 0 : i32
    %dma_start3A_376 = arith.constant 0 : i32
    %dma_start3A_377 = tpu.memref_slice %arg4[%select_n3A_364, %dma_start3A_374, %rem3A_366, %dma_start3A_375, %dma_start3A_376] : memref<200x8x32x8x128xf32, #tpu.memory_space<hbm>> -> memref<1x8x1x8x128xf32, #tpu.memory_space<hbm>>
    %dma_start3A_378 = tpu.memref_squeeze %dma_start3A_377 : memref<1x8x1x8x128xf32, #tpu.memory_space<hbm>> -> memref<8x8x128xf32, #tpu.memory_space<hbm>>
    %dma_start3A_379 = tpu.memref_slice %arg9[%dma_start3A_368] : memref<2x!tpu.dma_semaphore, #tpu.memory_space<semaphore_mem>> -> memref<1x!tpu.dma_semaphore, #tpu.memory_space<semaphore_mem>>
    %dma_start3A_380 = tpu.memref_squeeze %dma_start3A_379 : memref<1x!tpu.dma_semaphore, #tpu.memory_space<semaphore_mem>> -> memref<!tpu.dma_semaphore, #tpu.memory_space<semaphore_mem>>
    %dma_start3A_381 = arith.constant 0 : i32
    %dma_start3A_382 = arith.constant 0 : i32
    %dma_start3A_383 = arith.constant 0 : i32
    %dma_start3A_384 = tpu.memref_slice %arg4[%select_n3A_364, %dma_start3A_381, %rem3A_366, %dma_start3A_382, %dma_start3A_383] : memref<200x8x32x8x128xf32, #tpu.memory_space<hbm>> -> memref<1x8x1x8x128xf32, #tpu.memory_space<hbm>>
    %dma_start3A_385 = tpu.memref_squeeze %dma_start3A_384 : memref<1x8x1x8x128xf32, #tpu.memory_space<hbm>> -> memref<8x8x128xf32, #tpu.memory_space<hbm>>
    %dma_start3A_386 = arith.constant 0 : i32
    %dma_start3A_387 = arith.constant 0 : i32
    %dma_start3A_388 = arith.constant 0 : i32
    %dma_start3A_389 = tpu.memref_slice %arg7[%dma_start3A_367, %dma_start3A_386, %dma_start3A_387, %dma_start3A_388] : memref<2x8x8x128xf32, #tpu.memory_space<vmem>> -> memref<1x8x8x128xf32, #tpu.memory_space<vmem>>
    %dma_start3A_390 = tpu.memref_squeeze %dma_start3A_389 : memref<1x8x8x128xf32, #tpu.memory_space<vmem>> -> memref<8x8x128xf32, #tpu.memory_space<vmem>>
    tpu.enqueue_dma source(%dma_start3A_390 : memref<8x8x128xf32, #tpu.memory_space<vmem>>) target(%dma_start3A_385 : memref<8x8x128xf32, #tpu.memory_space<hbm>>) target_semaphore(%dma_start3A_380 : memref<!tpu.dma_semaphore, #tpu.memory_space<semaphore_mem>>)
    %dma_wait3A_391 = arith.constant 0 : i32
    %dma_wait3A_392 = arith.constant 0 : i32
    %dma_wait3A_393 = arith.constant 0 : i32
    %dma_wait3A_394 = arith.constant 0 : i32
    %dma_wait3A_395 = arith.constant 0 : i32
    %dma_wait3A_396 = arith.constant 0 : i32
    %dma_wait3A_397 = arith.constant 0 : i32
    %dma_wait3A_398 = tpu.memref_slice %arg7[%dma_wait3A_391, %dma_wait3A_395, %dma_wait3A_396, %dma_wait3A_397] : memref<2x8x8x128xf32, #tpu.memory_space<vmem>> -> memref<1x8x8x128xf32, #tpu.memory_space<vmem>>
    %dma_wait3A_399 = tpu.memref_squeeze %dma_wait3A_398 : memref<1x8x8x128xf32, #tpu.memory_space<vmem>> -> memref<8x8x128xf32, #tpu.memory_space<vmem>>
    %dma_wait3A_400 = arith.constant 0 : i32
    %dma_wait3A_401 = arith.constant 0 : i32
    %dma_wait3A_402 = arith.constant 0 : i32
    %dma_wait3A_403 = tpu.memref_slice %arg4[%dma_wait3A_392, %dma_wait3A_400, %dma_wait3A_393, %dma_wait3A_401, %dma_wait3A_402] : memref<200x8x32x8x128xf32, #tpu.memory_space<hbm>> -> memref<1x8x1x8x128xf32, #tpu.memory_space<hbm>>
    %dma_wait3A_404 = tpu.memref_squeeze %dma_wait3A_403 : memref<1x8x1x8x128xf32, #tpu.memory_space<hbm>> -> memref<8x8x128xf32, #tpu.memory_space<hbm>>
    %dma_wait3A_405 = tpu.memref_slice %arg9[%dma_wait3A_394] : memref<2x!tpu.dma_semaphore, #tpu.memory_space<semaphore_mem>> -> memref<1x!tpu.dma_semaphore, #tpu.memory_space<semaphore_mem>>
    %dma_wait3A_406 = tpu.memref_squeeze %dma_wait3A_405 : memref<1x!tpu.dma_semaphore, #tpu.memory_space<semaphore_mem>> -> memref<!tpu.dma_semaphore, #tpu.memory_space<semaphore_mem>>
    %dma_wait3A_407 = arith.constant 0 : i32
    %dma_wait3A_408 = arith.constant 0 : i32
    %dma_wait3A_409 = arith.constant 0 : i32
    %dma_wait3A_410 = tpu.memref_slice %arg4[%dma_wait3A_392, %dma_wait3A_407, %dma_wait3A_393, %dma_wait3A_408, %dma_wait3A_409] : memref<200x8x32x8x128xf32, #tpu.memory_space<hbm>> -> memref<1x8x1x8x128xf32, #tpu.memory_space<hbm>>
    %dma_wait3A_411 = tpu.memref_squeeze %dma_wait3A_410 : memref<1x8x1x8x128xf32, #tpu.memory_space<hbm>> -> memref<8x8x128xf32, #tpu.memory_space<hbm>>
    %dma_wait3A_412 = arith.constant 0 : i32
    %dma_wait3A_413 = arith.constant 0 : i32
    %dma_wait3A_414 = arith.constant 0 : i32
    %dma_wait3A_415 = tpu.memref_slice %arg7[%dma_wait3A_391, %dma_wait3A_412, %dma_wait3A_413, %dma_wait3A_414] : memref<2x8x8x128xf32, #tpu.memory_space<vmem>> -> memref<1x8x8x128xf32, #tpu.memory_space<vmem>>
    %dma_wait3A_416 = tpu.memref_squeeze %dma_wait3A_415 : memref<1x8x8x128xf32, #tpu.memory_space<vmem>> -> memref<8x8x128xf32, #tpu.memory_space<vmem>>
    tpu.wait_dma2 semaphore(%dma_wait3A_406 : memref<!tpu.dma_semaphore, #tpu.memory_space<semaphore_mem>>) src(%dma_wait3A_416 : memref<8x8x128xf32, #tpu.memory_space<vmem>>) dst(%dma_wait3A_411 : memref<8x8x128xf32, #tpu.memory_space<hbm>>)
    %dma_wait3A_417 = arith.constant 1 : i32
    %dma_wait3A_418 = arith.constant 0 : i32
    %dma_wait3A_419 = arith.constant 0 : i32
    %dma_wait3A_420 = arith.constant 1 : i32
    %dma_wait3A_421 = arith.constant 0 : i32
    %dma_wait3A_422 = arith.constant 0 : i32
    %dma_wait3A_423 = arith.constant 0 : i32
    %dma_wait3A_424 = tpu.memref_slice %arg7[%dma_wait3A_417, %dma_wait3A_421, %dma_wait3A_422, %dma_wait3A_423] : memref<2x8x8x128xf32, #tpu.memory_space<vmem>> -> memref<1x8x8x128xf32, #tpu.memory_space<vmem>>
    %dma_wait3A_425 = tpu.memref_squeeze %dma_wait3A_424 : memref<1x8x8x128xf32, #tpu.memory_space<vmem>> -> memref<8x8x128xf32, #tpu.memory_space<vmem>>
    %dma_wait3A_426 = arith.constant 0 : i32
    %dma_wait3A_427 = arith.constant 0 : i32
    %dma_wait3A_428 = arith.constant 0 : i32
    %dma_wait3A_429 = tpu.memref_slice %arg4[%dma_wait3A_418, %dma_wait3A_426, %dma_wait3A_419, %dma_wait3A_427, %dma_wait3A_428] : memref<200x8x32x8x128xf32, #tpu.memory_space<hbm>> -> memref<1x8x1x8x128xf32, #tpu.memory_space<hbm>>
    %dma_wait3A_430 = tpu.memref_squeeze %dma_wait3A_429 : memref<1x8x1x8x128xf32, #tpu.memory_space<hbm>> -> memref<8x8x128xf32, #tpu.memory_space<hbm>>
    %dma_wait3A_431 = tpu.memref_slice %arg9[%dma_wait3A_420] : memref<2x!tpu.dma_semaphore, #tpu.memory_space<semaphore_mem>> -> memref<1x!tpu.dma_semaphore, #tpu.memory_space<semaphore_mem>>
    %dma_wait3A_432 = tpu.memref_squeeze %dma_wait3A_431 : memref<1x!tpu.dma_semaphore, #tpu.memory_space<semaphore_mem>> -> memref<!tpu.dma_semaphore, #tpu.memory_space<semaphore_mem>>
    %dma_wait3A_433 = arith.constant 0 : i32
    %dma_wait3A_434 = arith.constant 0 : i32
    %dma_wait3A_435 = arith.constant 0 : i32
    %dma_wait3A_436 = tpu.memref_slice %arg4[%dma_wait3A_418, %dma_wait3A_433, %dma_wait3A_419, %dma_wait3A_434, %dma_wait3A_435] : memref<200x8x32x8x128xf32, #tpu.memory_space<hbm>> -> memref<1x8x1x8x128xf32, #tpu.memory_space<hbm>>
    %dma_wait3A_437 = tpu.memref_squeeze %dma_wait3A_436 : memref<1x8x1x8x128xf32, #tpu.memory_space<hbm>> -> memref<8x8x128xf32, #tpu.memory_space<hbm>>
    %dma_wait3A_438 = arith.constant 0 : i32
    %dma_wait3A_439 = arith.constant 0 : i32
    %dma_wait3A_440 = arith.constant 0 : i32
    %dma_wait3A_441 = tpu.memref_slice %arg7[%dma_wait3A_417, %dma_wait3A_438, %dma_wait3A_439, %dma_wait3A_440] : memref<2x8x8x128xf32, #tpu.memory_space<vmem>> -> memref<1x8x8x128xf32, #tpu.memory_space<vmem>>
    %dma_wait3A_442 = tpu.memref_squeeze %dma_wait3A_441 : memref<1x8x8x128xf32, #tpu.memory_space<vmem>> -> memref<8x8x128xf32, #tpu.memory_space<vmem>>
    tpu.wait_dma2 semaphore(%dma_wait3A_432 : memref<!tpu.dma_semaphore, #tpu.memory_space<semaphore_mem>>) src(%dma_wait3A_442 : memref<8x8x128xf32, #tpu.memory_space<vmem>>) dst(%dma_wait3A_437 : memref<8x8x128xf32, #tpu.memory_space<hbm>>)
    return
  }
}

</mosaic_0001>

<sc_bundles>
// kernel: _embed.3.cloned.1.call-start
scs
__scs_entry_jumppad:
0x0: {  	(pc) =	sbr.rel $0x88, $3  }
0x1: {  	(tag) =	ssettag $0x0;
	lr =	simm.s32 $0x1  }
0x2: {  	[smem:$0x3F9F] =	sst lr;
	_ =	strace $0xD0000000  }
0x3: {  	_ = 	snop  }
0x4: {  	_ = 	snop  }
0x5: {  	_ = 	snop  }
0x6: {  	_ = 	snop  }
0x7: {  	_ = 	snop  }
__scs_overlays_trampoline_lowered:
0x8: {  	[smem:$0x3FAE] =	sst s0  }
0x9: {  	[smem:$0x3FAF] =	sst s1  }
0xa: {  	[smem:$0x3FB0] =	sst s2  }
0xb: {  	[smem:$0x3FB1] =	sst s3  }
0xc: {  	[smem:$0x3FB2] =	sst s4  }
0xd: {  	[smem:$0x3FB3] =	sst s5  }
0xe: {  	[smem:$0x3FB4] =	sst s6  }
0xf: {  	[smem:$0x3FB5] =	sst s7  }
0x10: {  	[smem:$0x3FB6] =	sst s8  }
0x11: {  	[smem:$0x3FB7] =	sst s9;
	s0 =	simm.s32 @!p0 $0x0  }
0x12: {  	s1 =	sld [smem:$0x3F9D];
	s0 =	simm.s32 @p0 $0x1  }
0x13: {  	[smem:$0x3FB8] =	sst s0;
	s0 =	simm.s32 @!p1 $0x0  }
0x14: {  	s2 =	sld [smem:$0x3F9C];
	s0 =	simm.s32 @p1 $0x1  }
0x15: {  	[smem:$0x3FB9] =	sst s0;
	s0 =	simm.s32 @!p2 $0x0  }
0x16: {  	s3 =	sld [smem:$0x3FDB];
	s0 =	simm.s32 @p2 $0x1  }
0x17: {  	s4 =	simm.s32 $0x1BF5;
	[smem:$0x3FBB] =	sst s0  }
0x18: {  	s0 =	sld [smem:$0x3F9E];
	_ =	swait.ge [sflag:s4], $0x0  }
0x19: {  	s7 =	sld [smem:$0x3F9F]  }
0x1a: {  	s8 =	sadd.s32 $0xFFFFE003, lr  }
0x1b: {  	s9 =	sadd.s32 $0xFFFFFEF7, lr;
	s5 =	simm.s32 $0xFFFFFFFF;
	p2 =	slt.u32 s8, $0xFFFFF086  }
0x1c: {  	p1 =	slt.u32 s9, $0xF7A;
	s5 =	simm.s32 @!p2 $0x0  }
0x1d: {  	s5 =	simm.s32 @p1 $0x1;
	p0 =	seq.s32 s7, s2  }
0x1e: {  	s7 =	smul.u32 @!p0 $0xF7A, s2;
	p2 =	seq.s32 @!p0 s5, $0x0  }
0x1f: {  	s9 =	smul.u32 $0xF7A, s1;
	s8 =	simm.s32 @!p0 $0x1BF5;
	p2 =	por !p2, p0  }
0x20: {  	[sflag:s8] =	ssyncset.s32 @!p0 $0xFFFFF086;
	s6 =	sadd.s32 @!p0 s3, s7;
	s7 =	simm.s32 @!p0 $0x108  }
0x21: {  	s3 =	sadd.s32 s3, s9;
	s6 =	sadd.s32 @!p0 $0x88, s6;
	s7 =	simm.s32 @p2 $0x1082  }
0x22: {  	[simem:s7], [sflag:s8] =	dma.local @!p0 [hbm:s6], $0xF7A  }
0x23: {  	s9 =	sor.u32 $0xD0000000, s2;
	s6 =	simm.s32 $0x108;
	_ =	swait.ge @!p0 [sflag:s8], $0x0  }
0x24: {  	s3 =	sadd.s32 $0x88, s3;
	s6 =	simm.s32 @!p1 $0x1082;
	[sflag:s4] =	ssyncset.s32 $0xFFFFF086  }
0x25: {  	[simem:s6], [sflag:s4] =	dma.local [hbm:s3], $0xF7A  }
0x26: {  	[smem:$0x3F9F] =	sst s1;
	(tag) =	ssettag s2;
	_ =	strace s9  }
0x27: {  	s1 =	sld [smem:$0x3FAF]  }
0x28: {  	s2 =	sld [smem:$0x3FB0]  }
0x29: {  	s4 =	sld [smem:$0x3FB2]  }
0x2a: {  	p0 =	seq.s32 s5, $0x0;
	s5 =	sld [smem:$0x3FB3]  }
0x2b: {  	s6 =	sld [smem:$0x3FB4]  }
0x2c: {  	s7 =	sld [smem:$0x3FB5]  }
0x2d: {  	s3 =	simm.s32 $0x108;
	s8 =	sld [smem:$0x3FB6]  }
0x2e: {  	s3 =	simm.s32 @!p0 $0x1082;
	s9 =	sld [smem:$0x3FB7]  }
0x2f: {  	lr =	sadd.s32 s0, s3;
	s0 =	sld [smem:$0x3FAE]  }
0x30: {  	s3 =	sld [smem:$0x3FB1]  }
0x31: {  	[smem:$0x3FBA] =	sst s10  }
0x32: {  	s10 =	sld [smem:$0x3FB8];
	_ =	sdelay $0x3  }
0x33: {  	p0 =	seq.s32 s10, $0x1;
	s10 =	sld [smem:$0x3FBA];
	_ =	sdelay $0x3  }
0x34: {  	[smem:$0x3FBA] =	sst s10  }
0x35: {  	s10 =	sld [smem:$0x3FB9];
	_ =	sdelay $0x3  }
0x36: {  	p1 =	seq.s32 s10, $0x1;
	s10 =	sld [smem:$0x3FBA];
	_ =	sdelay $0x3  }
0x37: {  	[smem:$0x3FBA] =	sst s10  }
0x38: {  	s10 =	sld [smem:$0x3FBB]  }
0x39: {  	_ = 	snop;
	(pc) =	sbr.ind lr, $3  }
0x3a: {  	_ = 	snop  }
0x3b: {  	_ = 	snop  }
0x3c: {  	p2 =	seq.s32 s10, $0x1;
	s10 =	sld [smem:$0x3FBA]  }
0x3d: {  	_ =	shalt  }
0x3e: {  	_ =	shalt  }
0x3f: {  	_ =	shalt  }
0x40: {  	_ =	shalt  }
0x41: {  	_ =	shalt  }
0x42: {  	_ =	shalt  }
0x43: {  	_ =	shalt  }
0x44: {  	_ =	shalt  }
0x45: {  	_ =	shalt  }
0x46: {  	_ =	shalt  }
0x47: {  	_ =	shalt  }
0x48: {  	_ =	shalt  }
0x49: {  	_ =	shalt  }
0x4a: {  	_ =	shalt  }
0x4b: {  	_ =	shalt  }
0x4c: {  	_ =	shalt  }
0x4d: {  	_ =	shalt  }
0x4e: {  	_ =	shalt  }
0x4f: {  	_ =	shalt  }
0x50: {  	_ =	shalt  }
0x51: {  	_ =	shalt  }
0x52: {  	_ =	shalt  }
0x53: {  	_ =	shalt  }
0x54: {  	_ =	shalt  }
0x55: {  	_ =	shalt  }
0x56: {  	_ =	shalt  }
0x57: {  	_ =	shalt  }
0x58: {  	_ =	shalt  }
0x59: {  	_ =	shalt  }
0x5a: {  	_ =	shalt  }
0x5b: {  	_ =	shalt  }
0x5c: {  	_ =	shalt  }
0x5d: {  	_ =	shalt  }
0x5e: {  	_ =	shalt  }
0x5f: {  	_ =	shalt  }
0x60: {  	_ =	shalt  }
0x61: {  	_ =	shalt  }
0x62: {  	_ =	shalt  }
0x63: {  	_ =	shalt  }
0x64: {  	_ =	shalt  }
0x65: {  	_ =	shalt  }
0x66: {  	_ =	shalt  }
0x67: {  	_ =	shalt  }
0x68: {  	_ =	shalt  }
0x69: {  	_ =	shalt  }
0x6a: {  	_ =	shalt  }
0x6b: {  	_ =	shalt  }
0x6c: {  	_ =	shalt  }
0x6d: {  	_ =	shalt  }
0x6e: {  	_ =	shalt  }
0x6f: {  	_ =	shalt  }
0x70: {  	_ =	shalt  }
0x71: {  	_ =	shalt  }
0x72: {  	_ =	shalt  }
0x73: {  	_ =	shalt  }
0x74: {  	_ =	shalt  }
0x75: {  	_ =	shalt  }
0x76: {  	_ =	shalt  }
0x77: {  	_ =	shalt  }
0x78: {  	_ =	shalt  }
0x79: {  	_ =	shalt  }
0x7a: {  	_ =	shalt  }
0x7b: {  	_ =	shalt  }
0x7c: {  	_ =	shalt  }
0x7d: {  	_ =	shalt  }
0x7e: {  	_ =	shalt  }
0x7f: {  	_ =	shalt  }
0x80: {  	_ =	shalt  }
0x81: {  	_ =	shalt  }
0x82: {  	_ =	shalt  }
0x83: {  	_ =	shalt  }
0x84: {  	_ =	shalt  }
0x85: {  	_ =	shalt  }
0x86: {  	_ =	shalt  }
0x87: {  	_ =	shalt  }
.Lfunc_end0:
.L_simem_size_0:
called_computation_lowered:
.L_overlay_start_0:
0x88: {  	s2 =	sld [smem:$0x3FD9]  }
0x89: {  	s3 =	sld [smem:$0x3FFE];
	_ =	sdelay $0x1  }
0x8a: {  	s1 =	srdreg.scid  }
0x8b: {  	s0 =	sand.u32 $0x1, s1  }
0x8c: {  	s18 =	sshll.u32 s0, $0xA;
	s2 =	sadd.s32 s3, s2  }
0x8d: {  	s2 =	sadd.s32 s2, s18  }
0x8e: {  	[smem:$0x3FC6] =	sst s2  }
0x8f: {  	_ = 	snop  }
0x90: {  	s2 =	sld [smem:$0x3FC9]  }
0x91: {  	s19 =	sld [smem:$0x3FC8]  }
0x92: {  	s4 =	sld [smem:$0x3FD0];
	(tm) =	ssettm $0x1  }
0x93: {  	s5 =	sld [smem:$0x3FFB];
	_ =	sdelay $0x3  }
0x94: {  	_ =	strace s5  }
0x95: {  	s5 =	sld [smem:$0x3FFC];
	_ =	sdelay $0x3  }
0x96: {  	_ =	strace s5  }
0x97: {  	s5 =	sld [smem:$0x3FFD];
	_ =	sdelay $0x3  }
0x98: {  	_ =	strace s5  }
0x99: {  	_ =	strace $0x8FFFFFFF  }
0x9a: {  	s20 =	sld [smem:$0x3FDB];
	_ =	sdelay $0x1  }
0x9b: {  	s6 =	simm.s32 $_scs_section_size  }
0x9c: {  	s7 =	simm.s32 $_size__tile_overlayer_lowered;
	s8 =	simm.s32 $_tile_overlayer_lowered  }
0x9d: {  	s23 =	simm.s32 $0x1BFF;
	s22 =	sshll.u32 s8, $0x1;
	s5 =	sadd.s32 s6, s20  }
0x9e: {  	s9 =	simm.s32 $0x0;
	s21 =	sshll.u32 s7, $0x1;
	s7 =	sadd.s32 s22, s5  }
0x9f: {  	[timem:s9], [sflag:s23] =	dma.local [hbm:s7], s21  }
0xa0: {  	_ =	swait.ge [sflag:s23], s21  }
0xa1: {  	s6 =	ssub.s32 $0x0, s21;
	[sflag:s23] =	ssyncset.done $0x0  }
0xa2: {  	[sflag:s23] =	ssyncadd.s32 s6;
	_ =	sdelay $0x1  }
0xa3: {  	s24 =	simm.s32 $0x1B8B  }
0xa4: {  	_ =	swait.ge [sflag:s24], $0x1  }
0xa5: {  	[sflag:s24] =	ssyncset.done $0x0  }
0xa6: {  	s25 =	simm.s32 $0x1B8E;
	[sflag:s24] =	ssyncadd.s32 $0xFFFFFFFF  }
0xa7: {  	s26 =	simm.s32 $execute0_lowered;
	[smem:$0x3FD2] =	sst s25  }
0xa8: {  	s6 =	sshll.u32 s26, $0x1;
	_ =	strace $0x80000046;
	[dreg:$0x1] =	wrdreg $0xFFFFFFFF  }
0xa9: {  	s28 =	simm.s32 $_size_execute0_lowered;
	s5 =	sadd.s32 s5, s6;
	[dreg:$0x0] =	wrdreg $0x0  }
0xaa: {  	s6 =	sshll.u32 s28, $0x1;
	[dreg:$0x2] =	wrdreg s5  }
0xab: {  	[dreg:$0x3] =	wrdreg s6  }
0xac: {  	[dreg:$0x4] =	wrdreg $0xC0  }
0xad: {  	_ =	task [dreg:s9], $0x5FFFF  }
0xae: {  	[dreg:$0x1] =	wrdreg $0xFFFFFFFF  }
0xaf: {  	[dreg:$0x0] =	wrdreg $0x60  }
0xb0: {  	[dreg:$0x2] =	wrdreg s2  }
0xb1: {  	[dreg:$0x3] =	wrdreg s19  }
0xb2: {  	[dreg:$0x4] =	wrdreg s4  }
0xb3: {  	[dreg:$0x5] =	wrdreg $0x9  }
0xb4: {  	_ =	task.clear_ibuf [dreg:s9], $0x6FFFF;
	_ =	strace $0x90000046  }
0xb5: {  	s29 =	simm.s32 $0x9;
	_ =	strace $0x80000048  }
0xb6: {  	_ =	swait.ge [sflag:s29], $0x1  }
0xb7: {  	[sflag:s29] =	ssyncadd.s32 $0xFFFFFFFF  }
0xb8: {  	_ =	strace $0x90000048  }
0xb9: {  	_ =	sfence  }
0xba: {  	s30 =	sld [smem:$0x0];
	_ =	sdelay $0x2  }
0xbb: {  	s31 =	sshll.u32 s1, $0xD;
	s1 =	sshrl.u32 s1, $0x2  }
0xbc: {  	s3 =	sand.u32 $0x4000, s31;
	s1 =	sadd.s32 s1, s30  }
0xbd: {  	s0 =	sor.u32 s3, s0;
	s1 =	sshll.u32 s1, $0x11  }
0xbe: {  	s0 =	sor.u32 s1, s0  }
0xbf: {  	s0 =	sadd.s32 $0x8F2B, s0  }
0xc0: {  	[sflag:s0] =	ssyncadd.remote.s32 $0x1  }
0xc1: {  	_ =	sfence.sel $0xFFFF  }
0xc2: {  	[dreg:$0x0] =	wrdreg $0xFFFFFFFF;
	(pc) =	sbr.abs _section_cstart, $3  }
0xc3: {  	[dreg:$0x1] =	wrdreg $0xFFFFFFFF  }
0xc4: {  	_ =	task.clear_ibuf [dreg:s9], $0x2FFFF;
	_ =	strace $0x9FFFFFFF  }
0xc5: {  	(tm) =	ssettm $0x7FFFFFFF  }
tec
execute0_lowered:
.L_overlay_start_1:
0x0: {  	(tag) =	ssettag $0x1  }
0x1: {  	s0 =	rddreg [dreg:$0x0]  }
0x2: {  	s1 =	srdreg.scid;
	s3 =	stileid.u32  }
0x3: {  	s2 =	rddreg [dreg:$0x1];
	s14 =	simm.s32 $0x80;
	s15 =	simm.s32 $0x6400  }
0x4: {  	s16 =	simm.s32 $0xA400;
	s17 =	simm.s32 $0x1;
	s18 =	simm.s32 $0xE400  }
0x5: {  	s19 =	simm.s32 $0x400;
	s20 =	simm.s32 $0x8000;
	s22 =	simm.s32 $0x2  }
0x6: {  	s23 =	simm.s32 $0x10400;
	s1 =	sand.u32 $0x1, s1;
	s4 =	sshll.u32 s3, $0x1  }
0x7: {  	s25 =	simm.s32 $0x3;
	s26 =	simm.s32 $0x4;
	s5 =	sor.u32 s1, s4  }
0x8: {  	s28 =	simm.s32 $0x0;
	s3 =	rddreg [dreg:$0x2];
	s6 =	smul.u32 $0x190000, s5  }
0x9: {  	s4 =	simm.s32 $0x0;
	s1 =	ssub.s32 $0x2, s1;
	s30 =	smul.u32 $0xC80, s5  }
0xa: {  	[smem:$0x7FF] =	sst s4;
	s8 =	sshrl.u32 s1, $0x1;
	s10 =	smul.u32 $0xC8, s5  }
0xb: {  	s7 =	sshll.u32 s5, $0xD;
	_ =	strace $0x80000047;
	s1 =	ssub.s32 s1, s8  }
0xc: {  	s6 =	sor.u32 s7, s6;
	s5 =	sadd.s32 s0, s30;
	s8 =	sor.u32 $0x2, s10  }
0xd: {  	s31 =	sadd.s32 $0xC6, s10;
	s9 =	sor.u32 $0x3, s10;
	s10 =	sadd.s32 $0xC7, s10  }
0xe: {  	s6 =	sand.u32 $0x3FC6000, s6;
	s11 =	sshll.u32 s31, $0xA;
	s0 =	sshll.u32 s31, $0x7  }
0xf: {  	s12 =	sshll.u32 s10, $0x7;
	s10 =	sshll.u32 s10, $0xA;
	s6 =	sshrl.u32 s6, $0x3  }
0x10: {  	v0 =	vlaneseq.u32;
	s11 =	sand.u32 $0xFF8000, s11;
	s0 =	sand.u32 $0xF00, s0;
	s12 =	sand.u32 $0xF80, s12  }
0x11: {  	v1 =	vor.u32 $0x800, v0;
	v2 =	vor.u32 $0x1000, v0;
	s13 =	sand.u32 $0xFF8000, s10;
	s6 =	sadd.s32 s3, s6;
	s0 =	sadd.s32 s3, s0  }
0x12: {  	v3 =	vor.u32 $0x1800, v0;
	v4 =	vmul.u32 $0x80, v0;
	v5 =	vor.u32 $0x2000, v0;
	s12 =	sadd.s32 s3, s12;
	s7 =	sadd.s32 $0x80, s6;
	s10 =	sadd.s32 s11, s0  }
0x13: {  	v6 =	vor.u32 $0x2800, v0;
	v7 =	vor.u32 $0x3000, v0;
	v8 =	vor.u32 $0x3800, v0;
	s11 =	sadd.s32 s13, s12;
	s12 =	smax.u32 s1, $0x1;
	s13 =	simm.s32 $0x5  }
.LBB2_1:
0x14: {  	[tilespmem:s4], [sflag:$0x5] =	stream.linear.gather [hbm4b:s5+s4], $0x6400, $0x38;
	[tilespmem:$0x12400] =	vst v63  }
0x15: {  	_ =	swait.ge [sflag:s13], $0x6400  }
0x16: {  	[sflag:s13] =	ssyncset.done $0x0  }
0x17: {  	[sflag:s13] =	ssyncadd.s32 $0xFFFF9C00  }
0x18: {  	[tilespmem:s15], [sflag:$0x1] =	stream.indirect.gather [hbm4b:s2+s14], $0x80, s4, s14, $0xb8;
	[tilespmem:$0x12400] =	vst v63  }
0x19: {  	_ = 	snop  }
0x1a: {  	[tilespmem:s16], [sflag:$0x2] =	stream.indirect.gather [hbm4b:s2+s14], $0x80, s14, s14, $0xb8;
	[tilespmem:$0x12400] =	vst v63  }
0x1b: {  	_ =	swait.ge [sflag:s17], $0x4000  }
0x1c: {  	[sflag:s17] =	ssyncset.done $0x0  }
0x1d: {  	s0 =	simm.s32 $0x0;
	[sflag:s17] =	ssyncadd.s32 $0xFFFFC000  }
.LBB2_2:
0x1e: {  	s1 =	sshll.u32 s0, $0x4;
	s21 =	simm.s32 $0x0  }
0x1f: {  	s24 =	simm.s32 $0x1;
	v21 =	vor.u32 s1, v0;
	v30 =	vadd.s32 s21, v0  }
0x20: {  	v32 =	vadd.s32 s24, v0;
	v26 =	vshll.u32 v21, $0x7;
	v14 =	vand.u32 $0xF, v30  }
0x21: {  	v19 =	vand.u32 $0xF, v32;
	v10 =	vor.u32 v26, v14  }
0x22: {  	v12 =	vor.u32 v26, v19;
	_ =	sdelay $0x2  }
0x23: {  	v11 =	vshll.u32 v30, $0x7  }
0x24: {  	v13 =	vshll.u32 v32, $0x7;
	v23 =	vor.u32 $0x10, v26;
	v9 =	vand.u32 $0x380, v11;
	v10 =	vld.idx.msk [tilespmem:v10+s15+$0x0], $0xffff  }
0x25: {  	v11 =	vand.u32 $0x400, v11;
	v15 =	vor.u32 v21, v9;
	v16 =	vld.idx.msk [tilespmem:v12+s15+$0x0], $0xffff;
	v12 =	vand.u32 $0x380, v13  }
0x26: {  	v15 =	vor.u32 v11, v15;
	v13 =	vand.u32 $0x400, v13;
	v17 =	vor.u32 v21, v12  }
0x27: {  	v18 =	vor.u32 v30, v23;
	v20 =	vor.u32 v13, v17  }
0x28: {  	s29 =	simm.s32 $0x2;
	v22 =	vor.u32 v32, v23  }
0x29: {  	s30 =	simm.s32 $0x3;
	v17 =	vadd.s32 s29, v0;
	v10 =	vmul.f32 $8.000000000e+00, v10  }
0x2a: {  	v29 =	vand.u32 $0xF, v17;
	v28 =	vmul.f32 $8.000000000e+00, v16;
	v16 =	vadd.s32 s30, v0  }
0x2b: {  	v31 =	vor.u32 v26, v29;
	v27 =	vand.u32 $0xF, v16;
	[tilespmem:v15+s18+$0x0] =	vst.idx.msk $0xffff, v10  }
0x2c: {  	v25 =	vor.u32 s1, v1;
	[tilespmem:v20+s18+$0x0] =	vst.idx.msk $0xffff, v28;
	v28 =	vor.u32 v26, v27;
	v33 =	vld.idx.msk [tilespmem:v18+s15+$0x0], $0xffff  }
0x2d: {  	v22 =	vld.idx.msk [tilespmem:v22+s15+$0x0], $0xffff;
	v18 =	vor.u32 v11, v25  }
0x2e: {  	v24 =	vor.u32 $0x20, v26;
	v36 =	vor.u32 v12, v25;
	v35 =	vor.u32 v9, v18  }
0x2f: {  	v37 =	vor.u32 v14, v24;
	v38 =	vor.u32 v13, v36;
	v34 =	vshll.u32 v17, $0x7  }
0x30: {  	v39 =	vor.u32 v19, v24;
	v36 =	vor.u32 v17, v23;
	v14 =	vand.u32 $0x380, v34;
	v31 =	vld.idx.msk [tilespmem:v31+s15+$0x0], $0xffff  }
0x31: {  	v60 =	vor.u32 v21, v14;
	v40 =	vld.idx.msk [tilespmem:v28+s15+$0x0], $0xffff;
	v28 =	vshll.u32 v16, $0x7;
	v33 =	vmul.f32 $8.000000000e+00, v33  }
0x32: {  	v18 =	vand.u32 $0x400, v34;
	v41 =	vmul.f32 $8.000000000e+00, v22;
	v19 =	vand.u32 $0x380, v28  }
0x33: {  	v42 =	vor.u32 v18, v60;
	v22 =	vand.u32 $0x400, v28;
	v28 =	vor.u32 v21, v19;
	[tilespmem:v35+s18+$0x0] =	vst.idx.msk $0xffff, v33  }
0x34: {  	v20 =	vor.u32 s1, v2;
	v15 =	vor.u32 $0x30, v26;
	[tilespmem:v38+s18+$0x0] =	vst.idx.msk $0xffff, v41;
	v34 =	vld.idx.msk [tilespmem:v37+s15+$0x0], $0xffff;
	v37 =	vor.u32 v22, v28  }
0x35: {  	v61 =	vor.u32 v11, v20;
	v63 =	vor.u32 v12, v20;
	v38 =	vor.u32 v16, v23;
	v33 =	vld.idx.msk [tilespmem:v39+s15+$0x0], $0xffff  }
0x36: {  	s31 =	simm.s32 $0x4;
	v62 =	vmul.f32 $8.000000000e+00, v31;
	v31 =	vor.u32 v30, v15;
	v35 =	vor.u32 v9, v61  }
0x37: {  	v30 =	vor.u32 v13, v63;
	v28 =	vadd.s32 s31, v0;
	v40 =	vmul.f32 $8.000000000e+00, v40  }
0x38: {  	s21 =	simm.s32 $0x5;
	v10 =	vor.u32 s1, v3;
	s1 =	simm.s32 $0x6;
	v32 =	vor.u32 v32, v15;
	[tilespmem:v42+s18+$0x0] =	vst.idx.msk $0xffff, v62;
	v39 =	vand.u32 $0xF, v28  }
.LBB2_3:
0x39: {  	p0 =	slt.u32 s1, $0xE;
	v41 =	vadd.s32 s21, v0;
	v36 =	vld.idx.msk [tilespmem:v36+s15+$0x0], $0xffff;
	v42 =	vor.u32 v29, v24;
	[tilespmem:v37+s18+$0x0] =	vst.idx.msk $0xffff, v40;
	v34 =	vmul.f32 $8.000000000e+00, v34  }
0x3a: {  	v37 =	vor.u32 v26, v39;
	v33 =	vmul.f32 $8.000000000e+00, v33;
	v29 =	vmovc v39;
	v40 =	vand.u32 $0xF, v41;
	v38 =	vld.idx.msk [tilespmem:v38+s15+$0x0], $0xffff  }
0x3b: {  	v39 =	vshll.u32 v28, $0x7;
	v44 =	vor.u32 v18, v25;
	v43 =	vor.u32 v26, v40;
	[tilespmem:v35+s18+$0x0] =	vst.idx.msk $0xffff, v34  }
0x3c: {  	v34 =	vor.u32 v14, v44;
	v35 =	vor.u32 v19, v25;
	v31 =	vld.idx.msk [tilespmem:v31+s15+$0x0], $0xffff;
	[tilespmem:v30+s18+$0x0] =	vst.idx.msk $0xffff, v33  }
0x3d: {  	v30 =	vand.u32 $0x400, v39;
	v33 =	vand.u32 $0x380, v39;
	v35 =	vor.u32 v22, v35;
	v32 =	vld.idx.msk [tilespmem:v32+s15+$0x0], $0xffff  }
0x3e: {  	v46 =	vor.u32 v11, v10;
	v44 =	vor.u32 v27, v24;
	v27 =	vmovc v40;
	v39 =	vor.u32 v21, v33  }
0x3f: {  	v48 =	vor.u32 v12, v10;
	v11 =	vmovc v18;
	v45 =	vor.u32 v9, v46;
	v36 =	vmul.f32 $8.000000000e+00, v36;
	v40 =	vld.idx.msk [tilespmem:v37+s15+$0x0], $0xffff  }
0x40: {  	v46 =	vor.u32 v13, v48;
	v9 =	vmovc v14;
	v18 =	vmovc v30;
	v37 =	vshll.u32 v41, $0x7;
	v38 =	vmul.f32 $8.000000000e+00, v38;
	v43 =	vld.idx.msk [tilespmem:v43+s15+$0x0], $0xffff  }
0x41: {  	v12 =	vmovc v19;
	v14 =	vmov v33;
	v47 =	vor.u32 v18, v39;
	v19 =	vand.u32 $0x380, v37;
	[tilespmem:v34+s18+$0x0] =	vst.idx.msk $0xffff, v36  }
0x42: {  	v39 =	vand.u32 $0x400, v37;
	v48 =	vor.u32 v21, v19;
	v30 =	vmul.f32 $8.000000000e+00, v31;
	v34 =	vld.idx.msk [tilespmem:v42+s15+$0x0], $0xffff;
	[tilespmem:v35+s18+$0x0] =	vst.idx.msk $0xffff, v38  }
.Ltmp0:
0x43: {  	v13 =	vmovc v22;
	v36 =	vor.u32 v28, v23;
	v37 =	vor.u32 v39, v48;
	v31 =	vmul.f32 $8.000000000e+00, v32;
	v33 =	vld.idx.msk [tilespmem:v44+s15+$0x0], $0xffff;
	(pc) =	sbr.rel @p0 .LBB2_3-.Ltmp0, $4  }
0x44: {  	v42 =	vadd.s32 s1, v0;
	v38 =	vor.u32 v41, v23;
	v48 =	vor.u32 v11, v20;
	[tilespmem:v45+s18+$0x0] =	vst.idx.msk $0xffff, v30  }
0x45: {  	v35 =	vor.u32 v9, v48;
	v44 =	vor.u32 v12, v20;
	v32 =	vmul.f32 $8.000000000e+00, v40;
	[tilespmem:v46+s18+$0x0] =	vst.idx.msk $0xffff, v31  }
0x46: {  	v22 =	vmovc v39;
	v30 =	vor.u32 v13, v44;
	v40 =	vmul.f32 $8.000000000e+00, v43;
	v31 =	vor.u32 v17, v15;
	v17 =	vmovc v28  }
0x47: {  	s21 =	sadd.s32 $0x1, s1;
	s1 =	sadd.s32 $0x2, s1;
	v39 =	vand.u32 $0xF, v42;
	v28 =	vmovc v42;
	[tilespmem:v47+s18+$0x0] =	vst.idx.msk $0xffff, v32;
	v32 =	vor.u32 v16, v15;
	v16 =	vmov v41  }
0x48: {  	v41 =	vadd.s32 s21, v0  }
0x49: {  	v42 =	vor.u32 v26, v39;
	v43 =	vand.u32 $0xF, v41  }
0x4a: {  	v53 =	vor.u32 v26, v43;
	_ =	sdelay $0x2  }
0x4b: {  	v44 =	vshll.u32 v28, $0x7  }
0x4c: {  	v45 =	vand.u32 $0x380, v44;
	v46 =	vshll.u32 v41, $0x7;
	v42 =	vld.idx.msk [tilespmem:v42+s15+$0x0], $0xffff  }
0x4d: {  	v44 =	vand.u32 $0x400, v44;
	v47 =	vor.u32 v21, v45;
	v48 =	vand.u32 $0x380, v46;
	v26 =	vld.idx.msk [tilespmem:v53+s15+$0x0], $0xffff  }
0x4e: {  	v46 =	vand.u32 $0x400, v46;
	v47 =	vor.u32 v44, v47;
	v54 =	vor.u32 v21, v48  }
0x4f: {  	v49 =	vor.u32 v28, v23;
	v21 =	vor.u32 v46, v54  }
0x50: {  	v55 =	vor.u32 v41, v23  }
0x51: {  	v42 =	vmul.f32 $8.000000000e+00, v42  }
0x52: {  	[tilespmem:v37+s18+$0x0] =	vst.idx.msk $0xffff, v40;
	v36 =	vld.idx.msk [tilespmem:v36+s15+$0x0], $0xffff;
	v26 =	vmul.f32 $8.000000000e+00, v26  }
0x53: {  	v56 =	vor.u32 v18, v25;
	v37 =	vld.idx.msk [tilespmem:v38+s15+$0x0], $0xffff;
	[tilespmem:v47+s18+$0x0] =	vst.idx.msk $0xffff, v42  }
0x54: {  	v57 =	vor.u32 v19, v25;
	v38 =	vor.u32 v14, v56;
	v58 =	vld.idx.msk [tilespmem:v49+s15+$0x0], $0xffff;
	[tilespmem:v21+s18+$0x0] =	vst.idx.msk $0xffff, v26  }
0x55: {  	v29 =	vor.u32 v29, v24;
	v59 =	vor.u32 v44, v25;
	v21 =	vor.u32 v22, v57;
	v23 =	vld.idx.msk [tilespmem:v55+s15+$0x0], $0xffff  }
0x56: {  	v27 =	vor.u32 v27, v24;
	v40 =	vor.u32 v45, v59;
	v60 =	vor.u32 v48, v25  }
0x57: {  	v61 =	vor.u32 v39, v24;
	v25 =	vor.u32 v46, v60;
	v36 =	vmul.f32 $8.000000000e+00, v36  }
0x58: {  	v62 =	vor.u32 v43, v24;
	v63 =	vmul.f32 $8.000000000e+00, v37  }
0x59: {  	[tilespmem:v38+s18+$0x0] =	vst.idx.msk $0xffff, v36;
	v26 =	vmul.f32 $8.000000000e+00, v58  }
0x5a: {  	v34 =	vmul.f32 $8.000000000e+00, v34;
	v17 =	vor.u32 v17, v15;
	v29 =	vld.idx.msk [tilespmem:v29+s15+$0x0], $0xffff;
	[tilespmem:v21+s18+$0x0] =	vst.idx.msk $0xffff, v63;
	v36 =	vmul.f32 $8.000000000e+00, v23  }
0x5b: {  	v16 =	vor.u32 v16, v15;
	v38 =	vor.u32 v18, v20;
	v27 =	vld.idx.msk [tilespmem:v27+s15+$0x0], $0xffff;
	[tilespmem:v40+s18+$0x0] =	vst.idx.msk $0xffff, v26  }
0x5c: {  	v42 =	vor.u32 v19, v20;
	v40 =	vor.u32 v14, v38;
	v43 =	vld.idx.msk [tilespmem:v61+s15+$0x0], $0xffff;
	[tilespmem:v25+s18+$0x0] =	vst.idx.msk $0xffff, v36  }
0x5d: {  	v51 =	vor.u32 v28, v15;
	v47 =	vor.u32 v22, v42;
	v49 =	vor.u32 v44, v20;
	v24 =	vld.idx.msk [tilespmem:v62+s15+$0x0], $0xffff  }
0x5e: {  	v50 =	vor.u32 v48, v20;
	v37 =	vmul.f32 $8.000000000e+00, v33;
	v25 =	vor.u32 v45, v49  }
0x5f: {  	v11 =	vor.u32 v11, v10;
	[tilespmem:v35+s18+$0x0] =	vst.idx.msk $0xffff, v34;
	v29 =	vmul.f32 $8.000000000e+00, v29;
	v20 =	vor.u32 v46, v50  }
0x60: {  	v31 =	vld.idx.msk [tilespmem:v31+s15+$0x0], $0xffff;
	v53 =	vor.u32 v41, v15;
	[tilespmem:v30+s18+$0x0] =	vst.idx.msk $0xffff, v37;
	v52 =	vmul.f32 $8.000000000e+00, v27  }
0x61: {  	v9 =	vor.u32 v9, v11;
	v54 =	vld.idx.msk [tilespmem:v32+s15+$0x0], $0xffff;
	[tilespmem:v40+s18+$0x0] =	vst.idx.msk $0xffff, v29;
	v11 =	vmul.f32 $8.000000000e+00, v43  }
0x62: {  	v12 =	vor.u32 v12, v10;
	v17 =	vld.idx.msk [tilespmem:v17+s15+$0x0], $0xffff;
	[tilespmem:v47+s18+$0x0] =	vst.idx.msk $0xffff, v52;
	v55 =	vmul.f32 $8.000000000e+00, v24  }
0x63: {  	v12 =	vor.u32 v13, v12;
	v57 =	vor.u32 v18, v10;
	v56 =	vld.idx.msk [tilespmem:v16+s15+$0x0], $0xffff;
	[tilespmem:v25+s18+$0x0] =	vst.idx.msk $0xffff, v11  }
0x64: {  	v58 =	vor.u32 v19, v10;
	v11 =	vor.u32 v14, v57;
	v59 =	vld.idx.msk [tilespmem:v51+s15+$0x0], $0xffff;
	[tilespmem:v20+s18+$0x0] =	vst.idx.msk $0xffff, v55  }
0x65: {  	v60 =	vmul.f32 $8.000000000e+00, v31;
	v61 =	vor.u32 v44, v10;
	v14 =	vor.u32 v22, v58;
	v15 =	vld.idx.msk [tilespmem:v53+s15+$0x0], $0xffff  }
0x66: {  	s0 =	sadd.s32 $0x1, s0;
	v10 =	vor.u32 v48, v10;
	v19 =	vor.u32 v45, v61;
	v62 =	vmul.f32 $8.000000000e+00, v54  }
0x67: {  	p0 =	sne.s32 s0, $0x8;
	[tilespmem:v9+s18+$0x0] =	vst.idx.msk $0xffff, v60;
	v10 =	vor.u32 v46, v10;
	v9 =	vmul.f32 $8.000000000e+00, v17  }
.Ltmp1:
0x68: {  	[tilespmem:v12+s18+$0x0] =	vst.idx.msk $0xffff, v62;
	v63 =	vmul.f32 $8.000000000e+00, v56;
	(pc) =	sbr.rel @p0 .LBB2_2-.Ltmp1, $4  }
0x69: {  	[tilespmem:v11+s18+$0x0] =	vst.idx.msk $0xffff, v9;
	v9 =	vmul.f32 $8.000000000e+00, v59  }
0x6a: {  	[tilespmem:v14+s18+$0x0] =	vst.idx.msk $0xffff, v63;
	v11 =	vmul.f32 $8.000000000e+00, v15  }
0x6b: {  	[tilespmem:v19+s18+$0x0] =	vst.idx.msk $0xffff, v9  }
0x6c: {  	[tilespmem:v10+s18+$0x0] =	vst.idx.msk $0xffff, v11  }
0x6d: {  	[hbm4b:s6+s19] =	stream.strided.scatter [tilespmem:s18], [sflag:$0x3], $0x2000, s20, s19, $0x38;
	[tilespmem:$0x12400] =	vst v63  }
0x6e: {  	s0 =	simm.s32 $0x100  }
0x6f: {  	[tilespmem:s15], [sflag:$0x1] =	stream.indirect.gather [hbm4b:s2+s14], $0x80, s0, s14, $0xb8;
	[tilespmem:$0x12400] =	vst v63  }
0x70: {  	_ =	swait.ge [sflag:s22], $0x4000  }
0x71: {  	[sflag:s22] =	ssyncset.done $0x0  }
0x72: {  	s29 =	simm.s32 $0x0;
	s1 =	simm.s32 $0x0;
	[sflag:s22] =	ssyncadd.s32 $0xFFFFC000  }
.LBB2_6:
0x73: {  	s0 =	sshll.u32 s1, $0x4  }
0x74: {  	v9 =	vmov s0  }
0x75: {  	v9 =	vshll.u32 v9, $0x7  }
0x76: {  	v30 =	vadd.s32 s29, v0;
	s21 =	simm.s32 $0x1;
	v10 =	vor.u32 v4, v9  }
0x77: {  	v14 =	vand.u32 $0xF, v30;
	v32 =	vadd.s32 s21, v0;
	v26 =	vadd.s32 $0x4000, v10  }
0x78: {  	v19 =	vand.u32 $0xF, v32;
	v11 =	vor.u32 v26, v14  }
0x79: {  	v12 =	vor.u32 v26, v19;
	_ =	sdelay $0x2  }
0x7a: {  	v23 =	vor.u32 s0, v5;
	v13 =	vshll.u32 v30, $0x7  }
0x7b: {  	v16 =	vshll.u32 v32, $0x7;
	v9 =	vand.u32 $0x400, v13;
	v22 =	vadd.s32 $0x4010, v10;
	v15 =	vld.idx.msk [tilespmem:v11+s15+$0x0], $0xffff  }
0x7c: {  	v11 =	vand.u32 $0x380, v13;
	v13 =	vor.u32 v9, v23;
	v18 =	vld.idx.msk [tilespmem:v12+s15+$0x0], $0xffff;
	v12 =	vand.u32 $0x380, v16  }
0x7d: {  	v20 =	vor.u32 v11, v13;
	v13 =	vand.u32 $0x400, v16;
	v16 =	vor.u32 v12, v23  }
0x7e: {  	s24 =	simm.s32 $0x2;
	v21 =	vor.u32 v30, v22;
	v28 =	vor.u32 v13, v16  }
0x7f: {  	v17 =	vadd.s32 s24, v0;
	v31 =	vor.u32 v32, v22  }
0x80: {  	s30 =	simm.s32 $0x3;
	v29 =	vand.u32 $0xF, v17;
	v15 =	vmul.f32 $8.000000000e+00, v15  }
0x81: {  	v33 =	vor.u32 v26, v29;
	v16 =	vadd.s32 s30, v0;
	v18 =	vmul.f32 $8.000000000e+00, v18  }
0x82: {  	v27 =	vand.u32 $0xF, v16;
	[tilespmem:v20+s18+$0x0] =	vst.idx.msk $0xffff, v15  }
0x83: {  	v25 =	vor.u32 s0, v6;
	[tilespmem:v28+s18+$0x0] =	vst.idx.msk $0xffff, v18;
	v28 =	vor.u32 v26, v27;
	v21 =	vld.idx.msk [tilespmem:v21+s15+$0x0], $0xffff  }
0x84: {  	v18 =	vor.u32 v9, v25;
	v31 =	vld.idx.msk [tilespmem:v31+s15+$0x0], $0xffff  }
0x85: {  	v24 =	vadd.s32 $0x4020, v10;
	v36 =	vor.u32 v12, v25;
	v35 =	vor.u32 v11, v18  }
0x86: {  	v34 =	vshll.u32 v17, $0x7;
	v37 =	vor.u32 v14, v24;
	v33 =	vld.idx.msk [tilespmem:v33+s15+$0x0], $0xffff;
	v38 =	vor.u32 v13, v36  }
0x87: {  	v14 =	vand.u32 $0x380, v34;
	v39 =	vor.u32 v19, v24;
	v36 =	vor.u32 v17, v22  }
0x88: {  	v18 =	vand.u32 $0x400, v34;
	v40 =	vld.idx.msk [tilespmem:v28+s15+$0x0], $0xffff;
	v28 =	vshll.u32 v16, $0x7;
	v21 =	vmul.f32 $8.000000000e+00, v21  }
0x89: {  	v61 =	vor.u32 v18, v23;
	v31 =	vmul.f32 $8.000000000e+00, v31;
	v19 =	vand.u32 $0x380, v28  }
0x8a: {  	v41 =	vor.u32 v14, v61;
	[tilespmem:v35+s18+$0x0] =	vst.idx.msk $0xffff, v21;
	v21 =	vand.u32 $0x400, v28;
	v28 =	vor.u32 v19, v23  }
0x8b: {  	v42 =	vmul.f32 $8.000000000e+00, v33;
	v20 =	vor.u32 s0, v7;
	[tilespmem:v38+s18+$0x0] =	vst.idx.msk $0xffff, v31;
	v34 =	vld.idx.msk [tilespmem:v37+s15+$0x0], $0xffff;
	v37 =	vor.u32 v21, v28  }
0x8c: {  	v15 =	vadd.s32 $0x4030, v10;
	v62 =	vor.u32 v9, v20;
	v38 =	vor.u32 v16, v22;
	v33 =	vld.idx.msk [tilespmem:v39+s15+$0x0], $0xffff  }
0x8d: {  	s31 =	simm.s32 $0x4;
	v63 =	vor.u32 v12, v20;
	v35 =	vor.u32 v11, v62;
	v31 =	vor.u32 v30, v15  }
0x8e: {  	v30 =	vor.u32 v13, v63;
	v28 =	vadd.s32 s31, v0;
	v40 =	vmul.f32 $8.000000000e+00, v40  }
0x8f: {  	s21 =	simm.s32 $0x5;
	v10 =	vor.u32 s0, v8;
	s0 =	simm.s32 $0x6;
	v32 =	vor.u32 v32, v15;
	[tilespmem:v41+s18+$0x0] =	vst.idx.msk $0xffff, v42;
	v39 =	vand.u32 $0xF, v28  }
.LBB2_7:
0x90: {  	p0 =	slt.u32 s0, $0xE;
	v41 =	vadd.s32 s21, v0;
	v36 =	vld.idx.msk [tilespmem:v36+s15+$0x0], $0xffff;
	v42 =	vor.u32 v29, v24;
	[tilespmem:v37+s18+$0x0] =	vst.idx.msk $0xffff, v40;
	v34 =	vmul.f32 $8.000000000e+00, v34  }
0x91: {  	v37 =	vor.u32 v26, v39;
	v33 =	vmul.f32 $8.000000000e+00, v33;
	v29 =	vmovc v39;
	v40 =	vand.u32 $0xF, v41;
	v38 =	vld.idx.msk [tilespmem:v38+s15+$0x0], $0xffff  }
0x92: {  	v39 =	vshll.u32 v28, $0x7;
	v44 =	vor.u32 v18, v25;
	v43 =	vor.u32 v26, v40;
	[tilespmem:v35+s18+$0x0] =	vst.idx.msk $0xffff, v34  }
0x93: {  	v34 =	vor.u32 v14, v44;
	v35 =	vor.u32 v19, v25;
	v31 =	vld.idx.msk [tilespmem:v31+s15+$0x0], $0xffff;
	[tilespmem:v30+s18+$0x0] =	vst.idx.msk $0xffff, v33  }
0x94: {  	v30 =	vand.u32 $0x400, v39;
	v33 =	vand.u32 $0x380, v39;
	v35 =	vor.u32 v21, v35;
	v32 =	vld.idx.msk [tilespmem:v32+s15+$0x0], $0xffff  }
0x95: {  	v46 =	vor.u32 v9, v10;
	v44 =	vor.u32 v27, v24;
	v27 =	vmovc v40;
	v39 =	vor.u32 v30, v23  }
0x96: {  	v48 =	vor.u32 v12, v10;
	v9 =	vmovc v18;
	v45 =	vor.u32 v11, v46;
	v36 =	vmul.f32 $8.000000000e+00, v36;
	v40 =	vld.idx.msk [tilespmem:v37+s15+$0x0], $0xffff  }
0x97: {  	v46 =	vor.u32 v13, v48;
	v11 =	vmovc v14;
	v18 =	vmovc v30;
	v37 =	vshll.u32 v41, $0x7;
	v38 =	vmul.f32 $8.000000000e+00, v38;
	v43 =	vld.idx.msk [tilespmem:v43+s15+$0x0], $0xffff  }
0x98: {  	v12 =	vmovc v19;
	v14 =	vmov v33;
	v47 =	vor.u32 v33, v39;
	v19 =	vand.u32 $0x380, v37;
	[tilespmem:v34+s18+$0x0] =	vst.idx.msk $0xffff, v36  }
0x99: {  	v39 =	vand.u32 $0x400, v37;
	v48 =	vor.u32 v19, v23;
	v30 =	vmul.f32 $8.000000000e+00, v31;
	v34 =	vld.idx.msk [tilespmem:v42+s15+$0x0], $0xffff;
	[tilespmem:v35+s18+$0x0] =	vst.idx.msk $0xffff, v38  }
.Ltmp2:
0x9a: {  	v13 =	vmovc v21;
	v36 =	vor.u32 v28, v22;
	v37 =	vor.u32 v39, v48;
	v31 =	vmul.f32 $8.000000000e+00, v32;
	v33 =	vld.idx.msk [tilespmem:v44+s15+$0x0], $0xffff;
	(pc) =	sbr.rel @p0 .LBB2_7-.Ltmp2, $4  }
0x9b: {  	v42 =	vadd.s32 s0, v0;
	v38 =	vor.u32 v41, v22;
	v48 =	vor.u32 v9, v20;
	[tilespmem:v45+s18+$0x0] =	vst.idx.msk $0xffff, v30  }
0x9c: {  	v35 =	vor.u32 v11, v48;
	v44 =	vor.u32 v12, v20;
	v32 =	vmul.f32 $8.000000000e+00, v40;
	[tilespmem:v46+s18+$0x0] =	vst.idx.msk $0xffff, v31  }
0x9d: {  	v21 =	vmovc v39;
	v30 =	vor.u32 v13, v44;
	v40 =	vmul.f32 $8.000000000e+00, v43;
	v31 =	vor.u32 v17, v15;
	v17 =	vmovc v28  }
0x9e: {  	s21 =	sadd.s32 $0x1, s0;
	s0 =	sadd.s32 $0x2, s0;
	v39 =	vand.u32 $0xF, v42;
	v28 =	vmovc v42;
	[tilespmem:v47+s18+$0x0] =	vst.idx.msk $0xffff, v32;
	v32 =	vor.u32 v16, v15;
	v16 =	vmov v41  }
0x9f: {  	v41 =	vadd.s32 s21, v0  }
0xa0: {  	v42 =	vor.u32 v26, v39;
	v43 =	vand.u32 $0xF, v41  }
0xa1: {  	v53 =	vor.u32 v26, v43;
	_ =	sdelay $0x2  }
0xa2: {  	v44 =	vshll.u32 v28, $0x7  }
0xa3: {  	v45 =	vand.u32 $0x400, v44;
	v46 =	vshll.u32 v41, $0x7;
	v42 =	vld.idx.msk [tilespmem:v42+s15+$0x0], $0xffff  }
0xa4: {  	v44 =	vand.u32 $0x380, v44;
	v47 =	vor.u32 v45, v23;
	v48 =	vand.u32 $0x380, v46;
	v26 =	vld.idx.msk [tilespmem:v53+s15+$0x0], $0xffff  }
0xa5: {  	v46 =	vand.u32 $0x400, v46;
	v47 =	vor.u32 v44, v47;
	v54 =	vor.u32 v48, v23  }
0xa6: {  	v49 =	vor.u32 v28, v22;
	v23 =	vor.u32 v46, v54  }
0xa7: {  	v55 =	vor.u32 v41, v22  }
0xa8: {  	v42 =	vmul.f32 $8.000000000e+00, v42  }
0xa9: {  	[tilespmem:v37+s18+$0x0] =	vst.idx.msk $0xffff, v40;
	v36 =	vld.idx.msk [tilespmem:v36+s15+$0x0], $0xffff;
	v26 =	vmul.f32 $8.000000000e+00, v26  }
0xaa: {  	v56 =	vor.u32 v18, v25;
	v37 =	vld.idx.msk [tilespmem:v38+s15+$0x0], $0xffff;
	[tilespmem:v47+s18+$0x0] =	vst.idx.msk $0xffff, v42  }
0xab: {  	v57 =	vor.u32 v19, v25;
	v38 =	vor.u32 v14, v56;
	v58 =	vld.idx.msk [tilespmem:v49+s15+$0x0], $0xffff;
	[tilespmem:v23+s18+$0x0] =	vst.idx.msk $0xffff, v26  }
0xac: {  	v29 =	vor.u32 v29, v24;
	v59 =	vor.u32 v45, v25;
	v23 =	vor.u32 v21, v57;
	v22 =	vld.idx.msk [tilespmem:v55+s15+$0x0], $0xffff  }
0xad: {  	v27 =	vor.u32 v27, v24;
	v40 =	vor.u32 v44, v59;
	v60 =	vor.u32 v48, v25  }
0xae: {  	v61 =	vor.u32 v39, v24;
	v25 =	vor.u32 v46, v60;
	v36 =	vmul.f32 $8.000000000e+00, v36  }
0xaf: {  	v62 =	vor.u32 v43, v24;
	v63 =	vmul.f32 $8.000000000e+00, v37  }
0xb0: {  	[tilespmem:v38+s18+$0x0] =	vst.idx.msk $0xffff, v36;
	v26 =	vmul.f32 $8.000000000e+00, v58  }
0xb1: {  	v34 =	vmul.f32 $8.000000000e+00, v34;
	v17 =	vor.u32 v17, v15;
	v29 =	vld.idx.msk [tilespmem:v29+s15+$0x0], $0xffff;
	[tilespmem:v23+s18+$0x0] =	vst.idx.msk $0xffff, v63;
	v22 =	vmul.f32 $8.000000000e+00, v22  }
0xb2: {  	v16 =	vor.u32 v16, v15;
	v38 =	vor.u32 v18, v20;
	v27 =	vld.idx.msk [tilespmem:v27+s15+$0x0], $0xffff;
	[tilespmem:v40+s18+$0x0] =	vst.idx.msk $0xffff, v26  }
0xb3: {  	v42 =	vor.u32 v19, v20;
	v40 =	vor.u32 v14, v38;
	v43 =	vld.idx.msk [tilespmem:v61+s15+$0x0], $0xffff;
	[tilespmem:v25+s18+$0x0] =	vst.idx.msk $0xffff, v22  }
0xb4: {  	v51 =	vor.u32 v28, v15;
	v47 =	vor.u32 v21, v42;
	v49 =	vor.u32 v45, v20;
	v24 =	vld.idx.msk [tilespmem:v62+s15+$0x0], $0xffff  }
0xb5: {  	v50 =	vor.u32 v48, v20;
	v37 =	vmul.f32 $8.000000000e+00, v33;
	v25 =	vor.u32 v44, v49  }
0xb6: {  	v9 =	vor.u32 v9, v10;
	[tilespmem:v35+s18+$0x0] =	vst.idx.msk $0xffff, v34;
	v29 =	vmul.f32 $8.000000000e+00, v29;
	v20 =	vor.u32 v46, v50  }
0xb7: {  	v31 =	vld.idx.msk [tilespmem:v31+s15+$0x0], $0xffff;
	v53 =	vor.u32 v41, v15;
	[tilespmem:v30+s18+$0x0] =	vst.idx.msk $0xffff, v37;
	v52 =	vmul.f32 $8.000000000e+00, v27  }
0xb8: {  	v9 =	vor.u32 v11, v9;
	v54 =	vld.idx.msk [tilespmem:v32+s15+$0x0], $0xffff;
	[tilespmem:v40+s18+$0x0] =	vst.idx.msk $0xffff, v29;
	v11 =	vmul.f32 $8.000000000e+00, v43  }
0xb9: {  	v12 =	vor.u32 v12, v10;
	v17 =	vld.idx.msk [tilespmem:v17+s15+$0x0], $0xffff;
	[tilespmem:v47+s18+$0x0] =	vst.idx.msk $0xffff, v52;
	v55 =	vmul.f32 $8.000000000e+00, v24  }
0xba: {  	v12 =	vor.u32 v13, v12;
	v57 =	vor.u32 v18, v10;
	v56 =	vld.idx.msk [tilespmem:v16+s15+$0x0], $0xffff;
	[tilespmem:v25+s18+$0x0] =	vst.idx.msk $0xffff, v11  }
0xbb: {  	v58 =	vor.u32 v19, v10;
	v11 =	vor.u32 v14, v57;
	v59 =	vld.idx.msk [tilespmem:v51+s15+$0x0], $0xffff;
	[tilespmem:v20+s18+$0x0] =	vst.idx.msk $0xffff, v55  }
0xbc: {  	v60 =	vmul.f32 $8.000000000e+00, v31;
	v61 =	vor.u32 v45, v10;
	v14 =	vor.u32 v21, v58;
	v15 =	vld.idx.msk [tilespmem:v53+s15+$0x0], $0xffff  }
0xbd: {  	s1 =	sadd.s32 $0x1, s1;
	v10 =	vor.u32 v48, v10;
	v19 =	vor.u32 v44, v61;
	v62 =	vmul.f32 $8.000000000e+00, v54  }
0xbe: {  	p0 =	sne.s32 s1, $0x8;
	[tilespmem:v9+s18+$0x0] =	vst.idx.msk $0xffff, v60;
	v10 =	vor.u32 v46, v10;
	v9 =	vmul.f32 $8.000000000e+00, v17  }
.Ltmp3:
0xbf: {  	[tilespmem:v12+s18+$0x0] =	vst.idx.msk $0xffff, v62;
	v63 =	vmul.f32 $8.000000000e+00, v56;
	(pc) =	sbr.rel @p0 .LBB2_6-.Ltmp3, $4  }
0xc0: {  	[tilespmem:v11+s18+$0x0] =	vst.idx.msk $0xffff, v9;
	v9 =	vmul.f32 $8.000000000e+00, v59  }
0xc1: {  	[tilespmem:v14+s18+$0x0] =	vst.idx.msk $0xffff, v63;
	v11 =	vmul.f32 $8.000000000e+00, v15  }
0xc2: {  	[tilespmem:v19+s18+$0x0] =	vst.idx.msk $0xffff, v9  }
0xc3: {  	[tilespmem:v10+s18+$0x0] =	vst.idx.msk $0xffff, v11  }
0xc4: {  	[hbm4b:s7+s19] =	stream.strided.scatter [tilespmem:s23], [sflag:$0x4], $0x2000, s20, s19, $0x38;
	[tilespmem:$0x12400] =	vst v63  }
0xc5: {  	s0 =	simm.s32 $0x180;
	s29 =	simm.s32 $0x0  }
0xc6: {  	[tilespmem:s16], [sflag:$0x2] =	stream.indirect.gather [hbm4b:s2+s14], $0x80, s0, s14, $0xb8;
	[tilespmem:$0x12400] =	vst v63  }
.LBB2_10:
0xc7: {  	_ =	swait.ge [sflag:s25], $0x2000  }
0xc8: {  	[sflag:s25] =	ssyncset.done $0x0  }
0xc9: {  	[sflag:s25] =	ssyncadd.s32 $0xFFFFE000  }
0xca: {  	_ =	swait.ge [sflag:s17], $0x4000  }
0xcb: {  	[sflag:s17] =	ssyncset.done $0x0  }
0xcc: {  	s0 =	simm.s32 $0x0;
	[sflag:s17] =	ssyncadd.s32 $0xFFFFC000  }
.LBB2_11:
0xcd: {  	s1 =	sshll.u32 s0, $0x4;
	s21 =	simm.s32 $0x0  }
0xce: {  	s31 =	simm.s32 $0x1;
	v21 =	vor.u32 s1, v0;
	v30 =	vadd.s32 s21, v0  }
0xcf: {  	v32 =	vadd.s32 s31, v0;
	v26 =	vshll.u32 v21, $0x7;
	v14 =	vand.u32 $0xF, v30  }
0xd0: {  	v19 =	vand.u32 $0xF, v32;
	v10 =	vor.u32 v26, v14  }
0xd1: {  	v12 =	vor.u32 v26, v19;
	_ =	sdelay $0x2  }
0xd2: {  	v11 =	vshll.u32 v30, $0x7  }
0xd3: {  	v13 =	vshll.u32 v32, $0x7;
	v23 =	vor.u32 $0x10, v26;
	v9 =	vand.u32 $0x380, v11;
	v10 =	vld.idx.msk [tilespmem:v10+s15+$0x0], $0xffff  }
0xd4: {  	v11 =	vand.u32 $0x400, v11;
	v15 =	vor.u32 v21, v9;
	v16 =	vld.idx.msk [tilespmem:v12+s15+$0x0], $0xffff;
	v12 =	vand.u32 $0x380, v13  }
0xd5: {  	v15 =	vor.u32 v11, v15;
	v13 =	vand.u32 $0x400, v13;
	v17 =	vor.u32 v21, v12  }
0xd6: {  	v18 =	vor.u32 v30, v23;
	v20 =	vor.u32 v13, v17  }
0xd7: {  	s24 =	simm.s32 $0x2;
	v22 =	vor.u32 v32, v23  }
0xd8: {  	s30 =	simm.s32 $0x3;
	v17 =	vadd.s32 s24, v0;
	v10 =	vmul.f32 $8.000000000e+00, v10  }
0xd9: {  	v29 =	vand.u32 $0xF, v17;
	v28 =	vmul.f32 $8.000000000e+00, v16;
	v16 =	vadd.s32 s30, v0  }
0xda: {  	v31 =	vor.u32 v26, v29;
	v27 =	vand.u32 $0xF, v16;
	[tilespmem:v15+s18+$0x0] =	vst.idx.msk $0xffff, v10  }
0xdb: {  	v25 =	vor.u32 s1, v1;
	[tilespmem:v20+s18+$0x0] =	vst.idx.msk $0xffff, v28;
	v28 =	vor.u32 v26, v27;
	v33 =	vld.idx.msk [tilespmem:v18+s15+$0x0], $0xffff  }
0xdc: {  	v22 =	vld.idx.msk [tilespmem:v22+s15+$0x0], $0xffff;
	v18 =	vor.u32 v11, v25  }
0xdd: {  	v24 =	vor.u32 $0x20, v26;
	v36 =	vor.u32 v12, v25;
	v35 =	vor.u32 v9, v18  }
0xde: {  	v37 =	vor.u32 v14, v24;
	v38 =	vor.u32 v13, v36;
	v34 =	vshll.u32 v17, $0x7  }
0xdf: {  	v39 =	vor.u32 v19, v24;
	v36 =	vor.u32 v17, v23;
	v14 =	vand.u32 $0x380, v34;
	v31 =	vld.idx.msk [tilespmem:v31+s15+$0x0], $0xffff  }
0xe0: {  	v60 =	vor.u32 v21, v14;
	v40 =	vld.idx.msk [tilespmem:v28+s15+$0x0], $0xffff;
	v28 =	vshll.u32 v16, $0x7;
	v33 =	vmul.f32 $8.000000000e+00, v33  }
0xe1: {  	v18 =	vand.u32 $0x400, v34;
	v41 =	vmul.f32 $8.000000000e+00, v22;
	v19 =	vand.u32 $0x380, v28  }
0xe2: {  	v42 =	vor.u32 v18, v60;
	v22 =	vand.u32 $0x400, v28;
	v28 =	vor.u32 v21, v19;
	[tilespmem:v35+s18+$0x0] =	vst.idx.msk $0xffff, v33  }
0xe3: {  	v20 =	vor.u32 s1, v2;
	v15 =	vor.u32 $0x30, v26;
	[tilespmem:v38+s18+$0x0] =	vst.idx.msk $0xffff, v41;
	v34 =	vld.idx.msk [tilespmem:v37+s15+$0x0], $0xffff;
	v37 =	vor.u32 v22, v28  }
0xe4: {  	v61 =	vor.u32 v11, v20;
	v63 =	vor.u32 v12, v20;
	v38 =	vor.u32 v16, v23;
	v33 =	vld.idx.msk [tilespmem:v39+s15+$0x0], $0xffff  }
0xe5: {  	s31 =	simm.s32 $0x4;
	v62 =	vmul.f32 $8.000000000e+00, v31;
	v31 =	vor.u32 v30, v15;
	v35 =	vor.u32 v9, v61  }
0xe6: {  	v30 =	vor.u32 v13, v63;
	v28 =	vadd.s32 s31, v0;
	v40 =	vmul.f32 $8.000000000e+00, v40  }
0xe7: {  	s21 =	simm.s32 $0x5;
	v10 =	vor.u32 s1, v3;
	s1 =	simm.s32 $0x6;
	v32 =	vor.u32 v32, v15;
	[tilespmem:v42+s18+$0x0] =	vst.idx.msk $0xffff, v62;
	v39 =	vand.u32 $0xF, v28  }
.LBB2_12:
0xe8: {  	p0 =	slt.u32 s1, $0xE;
	v41 =	vadd.s32 s21, v0;
	v36 =	vld.idx.msk [tilespmem:v36+s15+$0x0], $0xffff;
	v42 =	vor.u32 v29, v24;
	[tilespmem:v37+s18+$0x0] =	vst.idx.msk $0xffff, v40;
	v34 =	vmul.f32 $8.000000000e+00, v34  }
0xe9: {  	v37 =	vor.u32 v26, v39;
	v33 =	vmul.f32 $8.000000000e+00, v33;
	v29 =	vmovc v39;
	v40 =	vand.u32 $0xF, v41;
	v38 =	vld.idx.msk [tilespmem:v38+s15+$0x0], $0xffff  }
0xea: {  	v39 =	vshll.u32 v28, $0x7;
	v44 =	vor.u32 v18, v25;
	v43 =	vor.u32 v26, v40;
	[tilespmem:v35+s18+$0x0] =	vst.idx.msk $0xffff, v34  }
0xeb: {  	v34 =	vor.u32 v14, v44;
	v35 =	vor.u32 v19, v25;
	v31 =	vld.idx.msk [tilespmem:v31+s15+$0x0], $0xffff;
	[tilespmem:v30+s18+$0x0] =	vst.idx.msk $0xffff, v33  }
0xec: {  	v30 =	vand.u32 $0x400, v39;
	v33 =	vand.u32 $0x380, v39;
	v35 =	vor.u32 v22, v35;
	v32 =	vld.idx.msk [tilespmem:v32+s15+$0x0], $0xffff  }
0xed: {  	v46 =	vor.u32 v11, v10;
	v44 =	vor.u32 v27, v24;
	v27 =	vmovc v40;
	v39 =	vor.u32 v21, v33  }
0xee: {  	v48 =	vor.u32 v12, v10;
	v11 =	vmovc v18;
	v45 =	vor.u32 v9, v46;
	v36 =	vmul.f32 $8.000000000e+00, v36;
	v40 =	vld.idx.msk [tilespmem:v37+s15+$0x0], $0xffff  }
0xef: {  	v46 =	vor.u32 v13, v48;
	v9 =	vmovc v14;
	v18 =	vmovc v30;
	v37 =	vshll.u32 v41, $0x7;
	v38 =	vmul.f32 $8.000000000e+00, v38;
	v43 =	vld.idx.msk [tilespmem:v43+s15+$0x0], $0xffff  }
0xf0: {  	v12 =	vmovc v19;
	v14 =	vmov v33;
	v47 =	vor.u32 v18, v39;
	v19 =	vand.u32 $0x380, v37;
	[tilespmem:v34+s18+$0x0] =	vst.idx.msk $0xffff, v36  }
0xf1: {  	v39 =	vand.u32 $0x400, v37;
	v48 =	vor.u32 v21, v19;
	v30 =	vmul.f32 $8.000000000e+00, v31;
	v34 =	vld.idx.msk [tilespmem:v42+s15+$0x0], $0xffff;
	[tilespmem:v35+s18+$0x0] =	vst.idx.msk $0xffff, v38  }
.Ltmp4:
0xf2: {  	v13 =	vmovc v22;
	v36 =	vor.u32 v28, v23;
	v37 =	vor.u32 v39, v48;
	v31 =	vmul.f32 $8.000000000e+00, v32;
	v33 =	vld.idx.msk [tilespmem:v44+s15+$0x0], $0xffff;
	(pc) =	sbr.rel @p0 .LBB2_12-.Ltmp4, $4  }
0xf3: {  	v42 =	vadd.s32 s1, v0;
	v38 =	vor.u32 v41, v23;
	v48 =	vor.u32 v11, v20;
	[tilespmem:v45+s18+$0x0] =	vst.idx.msk $0xffff, v30  }
0xf4: {  	v35 =	vor.u32 v9, v48;
	v44 =	vor.u32 v12, v20;
	v32 =	vmul.f32 $8.000000000e+00, v40;
	[tilespmem:v46+s18+$0x0] =	vst.idx.msk $0xffff, v31  }
0xf5: {  	v22 =	vmovc v39;
	v30 =	vor.u32 v13, v44;
	v40 =	vmul.f32 $8.000000000e+00, v43;
	v31 =	vor.u32 v17, v15;
	v17 =	vmovc v28  }
0xf6: {  	s21 =	sadd.s32 $0x1, s1;
	s1 =	sadd.s32 $0x2, s1;
	v39 =	vand.u32 $0xF, v42;
	v28 =	vmovc v42;
	[tilespmem:v47+s18+$0x0] =	vst.idx.msk $0xffff, v32;
	v32 =	vor.u32 v16, v15;
	v16 =	vmov v41  }
0xf7: {  	v41 =	vadd.s32 s21, v0  }
0xf8: {  	v42 =	vor.u32 v26, v39;
	v43 =	vand.u32 $0xF, v41  }
0xf9: {  	v53 =	vor.u32 v26, v43;
	_ =	sdelay $0x2  }
0xfa: {  	v44 =	vshll.u32 v28, $0x7  }
0xfb: {  	v45 =	vand.u32 $0x380, v44;
	v46 =	vshll.u32 v41, $0x7;
	v42 =	vld.idx.msk [tilespmem:v42+s15+$0x0], $0xffff  }
0xfc: {  	v44 =	vand.u32 $0x400, v44;
	v47 =	vor.u32 v21, v45;
	v48 =	vand.u32 $0x380, v46;
	v26 =	vld.idx.msk [tilespmem:v53+s15+$0x0], $0xffff  }
0xfd: {  	v46 =	vand.u32 $0x400, v46;
	v47 =	vor.u32 v44, v47;
	v54 =	vor.u32 v21, v48  }
0xfe: {  	v49 =	vor.u32 v28, v23;
	v21 =	vor.u32 v46, v54  }
0xff: {  	v55 =	vor.u32 v41, v23  }
0x100: {  	v42 =	vmul.f32 $8.000000000e+00, v42  }
0x101: {  	[tilespmem:v37+s18+$0x0] =	vst.idx.msk $0xffff, v40;
	v36 =	vld.idx.msk [tilespmem:v36+s15+$0x0], $0xffff;
	v26 =	vmul.f32 $8.000000000e+00, v26  }
0x102: {  	v56 =	vor.u32 v18, v25;
	v37 =	vld.idx.msk [tilespmem:v38+s15+$0x0], $0xffff;
	[tilespmem:v47+s18+$0x0] =	vst.idx.msk $0xffff, v42  }
0x103: {  	v57 =	vor.u32 v19, v25;
	v38 =	vor.u32 v14, v56;
	v58 =	vld.idx.msk [tilespmem:v49+s15+$0x0], $0xffff;
	[tilespmem:v21+s18+$0x0] =	vst.idx.msk $0xffff, v26  }
0x104: {  	v29 =	vor.u32 v29, v24;
	v59 =	vor.u32 v44, v25;
	v21 =	vor.u32 v22, v57;
	v23 =	vld.idx.msk [tilespmem:v55+s15+$0x0], $0xffff  }
0x105: {  	v27 =	vor.u32 v27, v24;
	v40 =	vor.u32 v45, v59;
	v60 =	vor.u32 v48, v25  }
0x106: {  	v61 =	vor.u32 v39, v24;
	v25 =	vor.u32 v46, v60;
	v36 =	vmul.f32 $8.000000000e+00, v36  }
0x107: {  	v62 =	vor.u32 v43, v24;
	v63 =	vmul.f32 $8.000000000e+00, v37  }
0x108: {  	[tilespmem:v38+s18+$0x0] =	vst.idx.msk $0xffff, v36;
	v26 =	vmul.f32 $8.000000000e+00, v58  }
0x109: {  	v34 =	vmul.f32 $8.000000000e+00, v34;
	v17 =	vor.u32 v17, v15;
	v29 =	vld.idx.msk [tilespmem:v29+s15+$0x0], $0xffff;
	[tilespmem:v21+s18+$0x0] =	vst.idx.msk $0xffff, v63;
	v36 =	vmul.f32 $8.000000000e+00, v23  }
0x10a: {  	v16 =	vor.u32 v16, v15;
	v38 =	vor.u32 v18, v20;
	v27 =	vld.idx.msk [tilespmem:v27+s15+$0x0], $0xffff;
	[tilespmem:v40+s18+$0x0] =	vst.idx.msk $0xffff, v26  }
0x10b: {  	v42 =	vor.u32 v19, v20;
	v40 =	vor.u32 v14, v38;
	v43 =	vld.idx.msk [tilespmem:v61+s15+$0x0], $0xffff;
	[tilespmem:v25+s18+$0x0] =	vst.idx.msk $0xffff, v36  }
0x10c: {  	v51 =	vor.u32 v28, v15;
	v47 =	vor.u32 v22, v42;
	v49 =	vor.u32 v44, v20;
	v24 =	vld.idx.msk [tilespmem:v62+s15+$0x0], $0xffff  }
0x10d: {  	v50 =	vor.u32 v48, v20;
	v37 =	vmul.f32 $8.000000000e+00, v33;
	v25 =	vor.u32 v45, v49  }
0x10e: {  	v11 =	vor.u32 v11, v10;
	[tilespmem:v35+s18+$0x0] =	vst.idx.msk $0xffff, v34;
	v29 =	vmul.f32 $8.000000000e+00, v29;
	v20 =	vor.u32 v46, v50  }
0x10f: {  	v31 =	vld.idx.msk [tilespmem:v31+s15+$0x0], $0xffff;
	v53 =	vor.u32 v41, v15;
	[tilespmem:v30+s18+$0x0] =	vst.idx.msk $0xffff, v37;
	v52 =	vmul.f32 $8.000000000e+00, v27  }
0x110: {  	v9 =	vor.u32 v9, v11;
	v54 =	vld.idx.msk [tilespmem:v32+s15+$0x0], $0xffff;
	[tilespmem:v40+s18+$0x0] =	vst.idx.msk $0xffff, v29;
	v11 =	vmul.f32 $8.000000000e+00, v43  }
0x111: {  	v12 =	vor.u32 v12, v10;
	v17 =	vld.idx.msk [tilespmem:v17+s15+$0x0], $0xffff;
	[tilespmem:v47+s18+$0x0] =	vst.idx.msk $0xffff, v52;
	v55 =	vmul.f32 $8.000000000e+00, v24  }
0x112: {  	v12 =	vor.u32 v13, v12;
	v57 =	vor.u32 v18, v10;
	v56 =	vld.idx.msk [tilespmem:v16+s15+$0x0], $0xffff;
	[tilespmem:v25+s18+$0x0] =	vst.idx.msk $0xffff, v11  }
0x113: {  	v58 =	vor.u32 v19, v10;
	v11 =	vor.u32 v14, v57;
	v59 =	vld.idx.msk [tilespmem:v51+s15+$0x0], $0xffff;
	[tilespmem:v20+s18+$0x0] =	vst.idx.msk $0xffff, v55  }
0x114: {  	v60 =	vmul.f32 $8.000000000e+00, v31;
	v61 =	vor.u32 v44, v10;
	v14 =	vor.u32 v22, v58;
	v15 =	vld.idx.msk [tilespmem:v53+s15+$0x0], $0xffff  }
0x115: {  	s0 =	sadd.s32 $0x1, s0;
	v10 =	vor.u32 v48, v10;
	v19 =	vor.u32 v45, v61;
	v62 =	vmul.f32 $8.000000000e+00, v54  }
0x116: {  	p0 =	sne.s32 s0, $0x8;
	[tilespmem:v9+s18+$0x0] =	vst.idx.msk $0xffff, v60;
	v10 =	vor.u32 v46, v10;
	v9 =	vmul.f32 $8.000000000e+00, v17  }
.Ltmp5:
0x117: {  	[tilespmem:v12+s18+$0x0] =	vst.idx.msk $0xffff, v62;
	v63 =	vmul.f32 $8.000000000e+00, v56;
	(pc) =	sbr.rel @p0 .LBB2_11-.Ltmp5, $4  }
0x118: {  	[tilespmem:v11+s18+$0x0] =	vst.idx.msk $0xffff, v9;
	v9 =	vmul.f32 $8.000000000e+00, v59  }
0x119: {  	[tilespmem:v14+s18+$0x0] =	vst.idx.msk $0xffff, v63;
	v11 =	vmul.f32 $8.000000000e+00, v15  }
0x11a: {  	[tilespmem:v19+s18+$0x0] =	vst.idx.msk $0xffff, v9  }
0x11b: {  	[tilespmem:v10+s18+$0x0] =	vst.idx.msk $0xffff, v11  }
0x11c: {  	s30 =	sshll.u32 s29, $0x1  }
0x11d: {  	s0 =	sadd.s32 s30, s8  }
0x11e: {  	s1 =	sshll.u32 s0, $0x7  }
0x11f: {  	s0 =	sshll.u32 s0, $0xA;
	s1 =	sand.u32 $0xF00, s1  }
0x120: {  	s24 =	sshll.u32 s29, $0x8;
	s0 =	sand.u32 $0xFFF8000, s0;
	s1 =	sadd.s32 s3, s1  }
0x121: {  	s31 =	sand.u32 $0x3FFFFF00, s24;
	s0 =	sadd.s32 s0, s1  }
0x122: {  	[hbm4b:s0+s19] =	stream.strided.scatter [tilespmem:s18], [sflag:$0x3], $0x2000, s20, s19, $0x38;
	[tilespmem:$0x12400] =	vst v63  }
0x123: {  	s0 =	sadd.s32 $0x200, s31  }
0x124: {  	[tilespmem:s15], [sflag:$0x1] =	stream.indirect.gather [hbm4b:s2+s14], $0x80, s0, s14, $0xb8;
	[tilespmem:$0x12400] =	vst v63  }
0x125: {  	_ =	swait.ge [sflag:s26], $0x2000  }
0x126: {  	[sflag:s26] =	ssyncset.done $0x0  }
0x127: {  	[sflag:s26] =	ssyncadd.s32 $0xFFFFE000  }
0x128: {  	_ =	swait.ge [sflag:s22], $0x4000  }
0x129: {  	[sflag:s22] =	ssyncset.done $0x0  }
0x12a: {  	s1 =	simm.s32 $0x0;
	s0 =	simm.s32 $0x0;
	[sflag:s22] =	ssyncadd.s32 $0xFFFFC000  }
.LBB2_15:
0x12b: {  	s21 =	sshll.u32 s0, $0x4  }
0x12c: {  	v9 =	vmov s21  }
0x12d: {  	v9 =	vshll.u32 v9, $0x7  }
0x12e: {  	v30 =	vadd.s32 s1, v0;
	s24 =	simm.s32 $0x1;
	v10 =	vor.u32 v4, v9  }
0x12f: {  	v14 =	vand.u32 $0xF, v30;
	v32 =	vadd.s32 s24, v0;
	v26 =	vadd.s32 $0x4000, v10  }
0x130: {  	v19 =	vand.u32 $0xF, v32;
	v11 =	vor.u32 v26, v14  }
0x131: {  	v12 =	vor.u32 v26, v19;
	_ =	sdelay $0x2  }
0x132: {  	v23 =	vor.u32 s21, v5;
	v13 =	vshll.u32 v30, $0x7  }
0x133: {  	v16 =	vshll.u32 v32, $0x7;
	v9 =	vand.u32 $0x400, v13;
	v22 =	vadd.s32 $0x4010, v10;
	v15 =	vld.idx.msk [tilespmem:v11+s15+$0x0], $0xffff  }
0x134: {  	v11 =	vand.u32 $0x380, v13;
	v13 =	vor.u32 v9, v23;
	v18 =	vld.idx.msk [tilespmem:v12+s15+$0x0], $0xffff;
	v12 =	vand.u32 $0x380, v16  }
0x135: {  	v20 =	vor.u32 v11, v13;
	v13 =	vand.u32 $0x400, v16;
	v16 =	vor.u32 v12, v23  }
0x136: {  	s24 =	simm.s32 $0x2;
	v21 =	vor.u32 v30, v22;
	v28 =	vor.u32 v13, v16  }
0x137: {  	v17 =	vadd.s32 s24, v0;
	v31 =	vor.u32 v32, v22  }
0x138: {  	s24 =	simm.s32 $0x3;
	v29 =	vand.u32 $0xF, v17;
	v15 =	vmul.f32 $8.000000000e+00, v15  }
0x139: {  	v33 =	vor.u32 v26, v29;
	v16 =	vadd.s32 s24, v0;
	v18 =	vmul.f32 $8.000000000e+00, v18  }
0x13a: {  	v27 =	vand.u32 $0xF, v16;
	[tilespmem:v20+s18+$0x0] =	vst.idx.msk $0xffff, v15  }
0x13b: {  	v25 =	vor.u32 s21, v6;
	[tilespmem:v28+s18+$0x0] =	vst.idx.msk $0xffff, v18;
	v28 =	vor.u32 v26, v27;
	v21 =	vld.idx.msk [tilespmem:v21+s15+$0x0], $0xffff  }
0x13c: {  	v18 =	vor.u32 v9, v25;
	v31 =	vld.idx.msk [tilespmem:v31+s15+$0x0], $0xffff  }
0x13d: {  	v24 =	vadd.s32 $0x4020, v10;
	v36 =	vor.u32 v12, v25;
	v35 =	vor.u32 v11, v18  }
0x13e: {  	v34 =	vshll.u32 v17, $0x7;
	v37 =	vor.u32 v14, v24;
	v33 =	vld.idx.msk [tilespmem:v33+s15+$0x0], $0xffff;
	v38 =	vor.u32 v13, v36  }
0x13f: {  	v14 =	vand.u32 $0x380, v34;
	v39 =	vor.u32 v19, v24;
	v36 =	vor.u32 v17, v22  }
0x140: {  	v18 =	vand.u32 $0x400, v34;
	v40 =	vld.idx.msk [tilespmem:v28+s15+$0x0], $0xffff;
	v28 =	vshll.u32 v16, $0x7;
	v21 =	vmul.f32 $8.000000000e+00, v21  }
0x141: {  	v61 =	vor.u32 v18, v23;
	v31 =	vmul.f32 $8.000000000e+00, v31;
	v19 =	vand.u32 $0x380, v28  }
0x142: {  	v41 =	vor.u32 v14, v61;
	[tilespmem:v35+s18+$0x0] =	vst.idx.msk $0xffff, v21;
	v21 =	vand.u32 $0x400, v28;
	v28 =	vor.u32 v19, v23  }
0x143: {  	v42 =	vmul.f32 $8.000000000e+00, v33;
	v20 =	vor.u32 s21, v7;
	[tilespmem:v38+s18+$0x0] =	vst.idx.msk $0xffff, v31;
	v34 =	vld.idx.msk [tilespmem:v37+s15+$0x0], $0xffff;
	v37 =	vor.u32 v21, v28  }
0x144: {  	v15 =	vadd.s32 $0x4030, v10;
	v62 =	vor.u32 v9, v20;
	v38 =	vor.u32 v16, v22;
	v33 =	vld.idx.msk [tilespmem:v39+s15+$0x0], $0xffff  }
0x145: {  	s24 =	simm.s32 $0x4;
	v63 =	vor.u32 v12, v20;
	v35 =	vor.u32 v11, v62;
	v31 =	vor.u32 v30, v15  }
0x146: {  	v30 =	vor.u32 v13, v63;
	v28 =	vadd.s32 s24, v0;
	v40 =	vmul.f32 $8.000000000e+00, v40  }
0x147: {  	v10 =	vor.u32 s21, v8;
	s21 =	simm.s32 $0x6;
	v32 =	vor.u32 v32, v15;
	[tilespmem:v41+s18+$0x0] =	vst.idx.msk $0xffff, v42;
	s24 =	simm.s32 $0x5;
	v39 =	vand.u32 $0xF, v28  }
.LBB2_16:
0x148: {  	p0 =	slt.u32 s21, $0xE;
	v41 =	vadd.s32 s24, v0;
	v36 =	vld.idx.msk [tilespmem:v36+s15+$0x0], $0xffff;
	v42 =	vor.u32 v29, v24;
	[tilespmem:v37+s18+$0x0] =	vst.idx.msk $0xffff, v40;
	v34 =	vmul.f32 $8.000000000e+00, v34  }
0x149: {  	v37 =	vor.u32 v26, v39;
	v33 =	vmul.f32 $8.000000000e+00, v33;
	v29 =	vmovc v39;
	v40 =	vand.u32 $0xF, v41;
	v38 =	vld.idx.msk [tilespmem:v38+s15+$0x0], $0xffff  }
0x14a: {  	v39 =	vshll.u32 v28, $0x7;
	v44 =	vor.u32 v18, v25;
	v43 =	vor.u32 v26, v40;
	[tilespmem:v35+s18+$0x0] =	vst.idx.msk $0xffff, v34  }
0x14b: {  	v34 =	vor.u32 v14, v44;
	v35 =	vor.u32 v19, v25;
	v31 =	vld.idx.msk [tilespmem:v31+s15+$0x0], $0xffff;
	[tilespmem:v30+s18+$0x0] =	vst.idx.msk $0xffff, v33  }
0x14c: {  	v30 =	vand.u32 $0x400, v39;
	v33 =	vand.u32 $0x380, v39;
	v35 =	vor.u32 v21, v35;
	v32 =	vld.idx.msk [tilespmem:v32+s15+$0x0], $0xffff  }
0x14d: {  	v46 =	vor.u32 v9, v10;
	v44 =	vor.u32 v27, v24;
	v27 =	vmovc v40;
	v39 =	vor.u32 v30, v23  }
0x14e: {  	v48 =	vor.u32 v12, v10;
	v9 =	vmovc v18;
	v45 =	vor.u32 v11, v46;
	v36 =	vmul.f32 $8.000000000e+00, v36;
	v40 =	vld.idx.msk [tilespmem:v37+s15+$0x0], $0xffff  }
0x14f: {  	v46 =	vor.u32 v13, v48;
	v11 =	vmovc v14;
	v18 =	vmovc v30;
	v37 =	vshll.u32 v41, $0x7;
	v38 =	vmul.f32 $8.000000000e+00, v38;
	v43 =	vld.idx.msk [tilespmem:v43+s15+$0x0], $0xffff  }
0x150: {  	v12 =	vmovc v19;
	v14 =	vmov v33;
	v47 =	vor.u32 v33, v39;
	v19 =	vand.u32 $0x380, v37;
	[tilespmem:v34+s18+$0x0] =	vst.idx.msk $0xffff, v36  }
0x151: {  	v39 =	vand.u32 $0x400, v37;
	v48 =	vor.u32 v19, v23;
	v30 =	vmul.f32 $8.000000000e+00, v31;
	v34 =	vld.idx.msk [tilespmem:v42+s15+$0x0], $0xffff;
	[tilespmem:v35+s18+$0x0] =	vst.idx.msk $0xffff, v38  }
.Ltmp6:
0x152: {  	v13 =	vmovc v21;
	v36 =	vor.u32 v28, v22;
	v37 =	vor.u32 v39, v48;
	v31 =	vmul.f32 $8.000000000e+00, v32;
	v33 =	vld.idx.msk [tilespmem:v44+s15+$0x0], $0xffff;
	(pc) =	sbr.rel @p0 .LBB2_16-.Ltmp6, $4  }
0x153: {  	v42 =	vadd.s32 s21, v0;
	v38 =	vor.u32 v41, v22;
	v48 =	vor.u32 v9, v20;
	[tilespmem:v45+s18+$0x0] =	vst.idx.msk $0xffff, v30  }
0x154: {  	v35 =	vor.u32 v11, v48;
	v44 =	vor.u32 v12, v20;
	v32 =	vmul.f32 $8.000000000e+00, v40;
	[tilespmem:v46+s18+$0x0] =	vst.idx.msk $0xffff, v31  }
0x155: {  	v21 =	vmovc v39;
	v30 =	vor.u32 v13, v44;
	v40 =	vmul.f32 $8.000000000e+00, v43;
	v31 =	vor.u32 v17, v15;
	v17 =	vmovc v28  }
0x156: {  	s24 =	sadd.s32 $0x1, s21;
	s21 =	sadd.s32 $0x2, s21;
	v39 =	vand.u32 $0xF, v42;
	v28 =	vmovc v42;
	[tilespmem:v47+s18+$0x0] =	vst.idx.msk $0xffff, v32;
	v32 =	vor.u32 v16, v15;
	v16 =	vmov v41  }
0x157: {  	v41 =	vadd.s32 s24, v0  }
0x158: {  	v42 =	vor.u32 v26, v39;
	v43 =	vand.u32 $0xF, v41  }
0x159: {  	v53 =	vor.u32 v26, v43;
	_ =	sdelay $0x2  }
0x15a: {  	v44 =	vshll.u32 v28, $0x7  }
0x15b: {  	v45 =	vand.u32 $0x400, v44;
	v46 =	vshll.u32 v41, $0x7;
	v42 =	vld.idx.msk [tilespmem:v42+s15+$0x0], $0xffff  }
0x15c: {  	v44 =	vand.u32 $0x380, v44;
	v47 =	vor.u32 v45, v23;
	v48 =	vand.u32 $0x380, v46;
	v26 =	vld.idx.msk [tilespmem:v53+s15+$0x0], $0xffff  }
0x15d: {  	v46 =	vand.u32 $0x400, v46;
	v47 =	vor.u32 v44, v47;
	v54 =	vor.u32 v48, v23  }
0x15e: {  	v49 =	vor.u32 v28, v22;
	v23 =	vor.u32 v46, v54  }
0x15f: {  	v55 =	vor.u32 v41, v22  }
0x160: {  	v42 =	vmul.f32 $8.000000000e+00, v42  }
0x161: {  	[tilespmem:v37+s18+$0x0] =	vst.idx.msk $0xffff, v40;
	v36 =	vld.idx.msk [tilespmem:v36+s15+$0x0], $0xffff;
	v26 =	vmul.f32 $8.000000000e+00, v26  }
0x162: {  	v56 =	vor.u32 v18, v25;
	v37 =	vld.idx.msk [tilespmem:v38+s15+$0x0], $0xffff;
	[tilespmem:v47+s18+$0x0] =	vst.idx.msk $0xffff, v42  }
0x163: {  	v57 =	vor.u32 v19, v25;
	v38 =	vor.u32 v14, v56;
	v58 =	vld.idx.msk [tilespmem:v49+s15+$0x0], $0xffff;
	[tilespmem:v23+s18+$0x0] =	vst.idx.msk $0xffff, v26  }
0x164: {  	v29 =	vor.u32 v29, v24;
	v59 =	vor.u32 v45, v25;
	v23 =	vor.u32 v21, v57;
	v22 =	vld.idx.msk [tilespmem:v55+s15+$0x0], $0xffff  }
0x165: {  	v27 =	vor.u32 v27, v24;
	v40 =	vor.u32 v44, v59;
	v60 =	vor.u32 v48, v25  }
0x166: {  	v61 =	vor.u32 v39, v24;
	v25 =	vor.u32 v46, v60;
	v36 =	vmul.f32 $8.000000000e+00, v36  }
0x167: {  	v62 =	vor.u32 v43, v24;
	v63 =	vmul.f32 $8.000000000e+00, v37  }
0x168: {  	[tilespmem:v38+s18+$0x0] =	vst.idx.msk $0xffff, v36;
	v26 =	vmul.f32 $8.000000000e+00, v58  }
0x169: {  	v34 =	vmul.f32 $8.000000000e+00, v34;
	v17 =	vor.u32 v17, v15;
	v29 =	vld.idx.msk [tilespmem:v29+s15+$0x0], $0xffff;
	[tilespmem:v23+s18+$0x0] =	vst.idx.msk $0xffff, v63;
	v22 =	vmul.f32 $8.000000000e+00, v22  }
0x16a: {  	v16 =	vor.u32 v16, v15;
	v38 =	vor.u32 v18, v20;
	v27 =	vld.idx.msk [tilespmem:v27+s15+$0x0], $0xffff;
	[tilespmem:v40+s18+$0x0] =	vst.idx.msk $0xffff, v26  }
0x16b: {  	v42 =	vor.u32 v19, v20;
	v40 =	vor.u32 v14, v38;
	v43 =	vld.idx.msk [tilespmem:v61+s15+$0x0], $0xffff;
	[tilespmem:v25+s18+$0x0] =	vst.idx.msk $0xffff, v22  }
0x16c: {  	v51 =	vor.u32 v28, v15;
	v47 =	vor.u32 v21, v42;
	v49 =	vor.u32 v45, v20;
	v24 =	vld.idx.msk [tilespmem:v62+s15+$0x0], $0xffff  }
0x16d: {  	v50 =	vor.u32 v48, v20;
	v37 =	vmul.f32 $8.000000000e+00, v33;
	v25 =	vor.u32 v44, v49  }
0x16e: {  	v9 =	vor.u32 v9, v10;
	[tilespmem:v35+s18+$0x0] =	vst.idx.msk $0xffff, v34;
	v29 =	vmul.f32 $8.000000000e+00, v29;
	v20 =	vor.u32 v46, v50  }
0x16f: {  	v31 =	vld.idx.msk [tilespmem:v31+s15+$0x0], $0xffff;
	v53 =	vor.u32 v41, v15;
	[tilespmem:v30+s18+$0x0] =	vst.idx.msk $0xffff, v37;
	v52 =	vmul.f32 $8.000000000e+00, v27  }
0x170: {  	v9 =	vor.u32 v11, v9;
	v54 =	vld.idx.msk [tilespmem:v32+s15+$0x0], $0xffff;
	[tilespmem:v40+s18+$0x0] =	vst.idx.msk $0xffff, v29;
	v11 =	vmul.f32 $8.000000000e+00, v43  }
0x171: {  	v12 =	vor.u32 v12, v10;
	v17 =	vld.idx.msk [tilespmem:v17+s15+$0x0], $0xffff;
	[tilespmem:v47+s18+$0x0] =	vst.idx.msk $0xffff, v52;
	v55 =	vmul.f32 $8.000000000e+00, v24  }
0x172: {  	v12 =	vor.u32 v13, v12;
	v57 =	vor.u32 v18, v10;
	v56 =	vld.idx.msk [tilespmem:v16+s15+$0x0], $0xffff;
	[tilespmem:v25+s18+$0x0] =	vst.idx.msk $0xffff, v11  }
0x173: {  	v58 =	vor.u32 v19, v10;
	v11 =	vor.u32 v14, v57;
	v59 =	vld.idx.msk [tilespmem:v51+s15+$0x0], $0xffff;
	[tilespmem:v20+s18+$0x0] =	vst.idx.msk $0xffff, v55  }
0x174: {  	v60 =	vmul.f32 $8.000000000e+00, v31;
	v61 =	vor.u32 v45, v10;
	v14 =	vor.u32 v21, v58;
	v15 =	vld.idx.msk [tilespmem:v53+s15+$0x0], $0xffff  }
0x175: {  	s0 =	sadd.s32 $0x1, s0;
	v10 =	vor.u32 v48, v10;
	v19 =	vor.u32 v44, v61;
	v62 =	vmul.f32 $8.000000000e+00, v54  }
0x176: {  	p0 =	sne.s32 s0, $0x8;
	[tilespmem:v9+s18+$0x0] =	vst.idx.msk $0xffff, v60;
	v10 =	vor.u32 v46, v10;
	v9 =	vmul.f32 $8.000000000e+00, v17  }
.Ltmp7:
0x177: {  	[tilespmem:v12+s18+$0x0] =	vst.idx.msk $0xffff, v62;
	v63 =	vmul.f32 $8.000000000e+00, v56;
	(pc) =	sbr.rel @p0 .LBB2_15-.Ltmp7, $4  }
0x178: {  	[tilespmem:v11+s18+$0x0] =	vst.idx.msk $0xffff, v9;
	v9 =	vmul.f32 $8.000000000e+00, v59  }
0x179: {  	[tilespmem:v14+s18+$0x0] =	vst.idx.msk $0xffff, v63;
	v11 =	vmul.f32 $8.000000000e+00, v15  }
0x17a: {  	[tilespmem:v19+s18+$0x0] =	vst.idx.msk $0xffff, v9  }
0x17b: {  	[tilespmem:v10+s18+$0x0] =	vst.idx.msk $0xffff, v11  }
0x17c: {  	s0 =	sadd.s32 s30, s9  }
0x17d: {  	s29 =	sadd.s32 $0x1, s29;
	s1 =	sshll.u32 s0, $0x7  }
0x17e: {  	s0 =	sshll.u32 s0, $0xA;
	p0 =	sne.s32 s29, $0x62;
	s1 =	sand.u32 $0xF80, s1  }
.Ltmp8:
0x17f: {  	s0 =	sand.u32 $0xFFF8000, s0;
	s1 =	sadd.s32 s3, s1;
	(pc) =	sbr.rel @p0 .LBB2_10-.Ltmp8, $4  }
0x180: {  	s0 =	sadd.s32 s0, s1  }
0x181: {  	[hbm4b:s0+s19] =	stream.strided.scatter [tilespmem:s23], [sflag:$0x4], $0x2000, s20, s19, $0x38;
	[tilespmem:$0x12400] =	vst v63  }
0x182: {  	s31 =	sadd.s32 $0x280, s31  }
0x183: {  	[tilespmem:s16], [sflag:$0x2] =	stream.indirect.gather [hbm4b:s2+s14], $0x80, s31, s14, $0xb8;
	[tilespmem:$0x12400] =	vst v63  }
0x184: {  	_ =	swait.ge [sflag:s25], $0x2000  }
0x185: {  	[sflag:s25] =	ssyncset.done $0x0  }
0x186: {  	[sflag:s25] =	ssyncadd.s32 $0xFFFFE000  }
0x187: {  	_ =	swait.ge [sflag:s17], $0x4000  }
0x188: {  	[sflag:s17] =	ssyncset.done $0x0  }
0x189: {  	s0 =	simm.s32 $0x0;
	s1 =	simm.s32 $0x0;
	[sflag:s17] =	ssyncadd.s32 $0xFFFFC000  }
.LBB2_20:
0x18a: {  	s21 =	sshll.u32 s1, $0x4  }
0x18b: {  	v30 =	vadd.s32 s0, v0;
	s24 =	simm.s32 $0x1;
	v21 =	vor.u32 s21, v0  }
0x18c: {  	v14 =	vand.u32 $0xF, v30;
	v32 =	vadd.s32 s24, v0;
	v26 =	vshll.u32 v21, $0x7  }
0x18d: {  	v19 =	vand.u32 $0xF, v32;
	v10 =	vor.u32 v26, v14  }
0x18e: {  	v12 =	vor.u32 v26, v19;
	_ =	sdelay $0x2  }
0x18f: {  	v11 =	vshll.u32 v30, $0x7  }
0x190: {  	v9 =	vand.u32 $0x380, v11;
	v13 =	vshll.u32 v32, $0x7;
	v11 =	vand.u32 $0x400, v11;
	v10 =	vld.idx.msk [tilespmem:v10+s15+$0x0], $0xffff  }
0x191: {  	v23 =	vor.u32 $0x10, v26;
	v15 =	vor.u32 v21, v9;
	v16 =	vld.idx.msk [tilespmem:v12+s15+$0x0], $0xffff;
	v12 =	vand.u32 $0x380, v13  }
0x192: {  	v15 =	vor.u32 v11, v15;
	v13 =	vand.u32 $0x400, v13;
	v17 =	vor.u32 v21, v12  }
0x193: {  	v18 =	vor.u32 v30, v23;
	v20 =	vor.u32 v13, v17  }
0x194: {  	s29 =	simm.s32 $0x2;
	v22 =	vor.u32 v32, v23  }
0x195: {  	s30 =	simm.s32 $0x3;
	v17 =	vadd.s32 s29, v0;
	v10 =	vmul.f32 $8.000000000e+00, v10  }
0x196: {  	v29 =	vand.u32 $0xF, v17;
	v28 =	vmul.f32 $8.000000000e+00, v16;
	v16 =	vadd.s32 s30, v0  }
0x197: {  	v31 =	vor.u32 v26, v29;
	v27 =	vand.u32 $0xF, v16;
	[tilespmem:v15+s18+$0x0] =	vst.idx.msk $0xffff, v10  }
0x198: {  	v25 =	vor.u32 s21, v1;
	[tilespmem:v20+s18+$0x0] =	vst.idx.msk $0xffff, v28;
	v28 =	vor.u32 v26, v27;
	v33 =	vld.idx.msk [tilespmem:v18+s15+$0x0], $0xffff  }
0x199: {  	v22 =	vld.idx.msk [tilespmem:v22+s15+$0x0], $0xffff;
	v18 =	vor.u32 v11, v25  }
0x19a: {  	v24 =	vor.u32 $0x20, v26;
	v36 =	vor.u32 v12, v25;
	v35 =	vor.u32 v9, v18  }
0x19b: {  	v37 =	vor.u32 v14, v24;
	v38 =	vor.u32 v13, v36;
	v34 =	vshll.u32 v17, $0x7  }
0x19c: {  	v39 =	vor.u32 v19, v24;
	v36 =	vor.u32 v17, v23;
	v14 =	vand.u32 $0x380, v34;
	v31 =	vld.idx.msk [tilespmem:v31+s15+$0x0], $0xffff  }
0x19d: {  	v60 =	vor.u32 v21, v14;
	v40 =	vld.idx.msk [tilespmem:v28+s15+$0x0], $0xffff;
	v28 =	vshll.u32 v16, $0x7;
	v33 =	vmul.f32 $8.000000000e+00, v33  }
0x19e: {  	v18 =	vand.u32 $0x400, v34;
	v41 =	vmul.f32 $8.000000000e+00, v22;
	v19 =	vand.u32 $0x380, v28  }
0x19f: {  	v42 =	vor.u32 v18, v60;
	v22 =	vand.u32 $0x400, v28;
	v28 =	vor.u32 v21, v19;
	[tilespmem:v35+s18+$0x0] =	vst.idx.msk $0xffff, v33  }
0x1a0: {  	v20 =	vor.u32 s21, v2;
	v15 =	vor.u32 $0x30, v26;
	[tilespmem:v38+s18+$0x0] =	vst.idx.msk $0xffff, v41;
	v34 =	vld.idx.msk [tilespmem:v37+s15+$0x0], $0xffff;
	v37 =	vor.u32 v22, v28  }
0x1a1: {  	v61 =	vor.u32 v11, v20;
	v63 =	vor.u32 v12, v20;
	v38 =	vor.u32 v16, v23;
	v33 =	vld.idx.msk [tilespmem:v39+s15+$0x0], $0xffff  }
0x1a2: {  	s31 =	simm.s32 $0x4;
	v62 =	vmul.f32 $8.000000000e+00, v31;
	v31 =	vor.u32 v30, v15;
	v35 =	vor.u32 v9, v61  }
0x1a3: {  	v30 =	vor.u32 v13, v63;
	v28 =	vadd.s32 s31, v0;
	v40 =	vmul.f32 $8.000000000e+00, v40  }
0x1a4: {  	s24 =	simm.s32 $0x5;
	v10 =	vor.u32 s21, v3;
	s21 =	simm.s32 $0x6;
	v32 =	vor.u32 v32, v15;
	[tilespmem:v42+s18+$0x0] =	vst.idx.msk $0xffff, v62;
	v39 =	vand.u32 $0xF, v28  }
.LBB2_21:
0x1a5: {  	p0 =	slt.u32 s21, $0xE;
	v41 =	vadd.s32 s24, v0;
	v36 =	vld.idx.msk [tilespmem:v36+s15+$0x0], $0xffff;
	v42 =	vor.u32 v29, v24;
	[tilespmem:v37+s18+$0x0] =	vst.idx.msk $0xffff, v40;
	v34 =	vmul.f32 $8.000000000e+00, v34  }
0x1a6: {  	v37 =	vor.u32 v26, v39;
	v33 =	vmul.f32 $8.000000000e+00, v33;
	v29 =	vmovc v39;
	v40 =	vand.u32 $0xF, v41;
	v38 =	vld.idx.msk [tilespmem:v38+s15+$0x0], $0xffff  }
0x1a7: {  	v39 =	vshll.u32 v28, $0x7;
	v44 =	vor.u32 v18, v25;
	v43 =	vor.u32 v26, v40;
	[tilespmem:v35+s18+$0x0] =	vst.idx.msk $0xffff, v34  }
0x1a8: {  	v34 =	vor.u32 v14, v44;
	v35 =	vor.u32 v19, v25;
	v31 =	vld.idx.msk [tilespmem:v31+s15+$0x0], $0xffff;
	[tilespmem:v30+s18+$0x0] =	vst.idx.msk $0xffff, v33  }
0x1a9: {  	v30 =	vand.u32 $0x400, v39;
	v33 =	vand.u32 $0x380, v39;
	v35 =	vor.u32 v22, v35;
	v32 =	vld.idx.msk [tilespmem:v32+s15+$0x0], $0xffff  }
0x1aa: {  	v46 =	vor.u32 v11, v10;
	v44 =	vor.u32 v27, v24;
	v27 =	vmovc v40;
	v39 =	vor.u32 v21, v33  }
0x1ab: {  	v48 =	vor.u32 v12, v10;
	v11 =	vmovc v18;
	v45 =	vor.u32 v9, v46;
	v36 =	vmul.f32 $8.000000000e+00, v36;
	v40 =	vld.idx.msk [tilespmem:v37+s15+$0x0], $0xffff  }
0x1ac: {  	v46 =	vor.u32 v13, v48;
	v9 =	vmovc v14;
	v18 =	vmovc v30;
	v37 =	vshll.u32 v41, $0x7;
	v38 =	vmul.f32 $8.000000000e+00, v38;
	v43 =	vld.idx.msk [tilespmem:v43+s15+$0x0], $0xffff  }
0x1ad: {  	v12 =	vmovc v19;
	v14 =	vmov v33;
	v47 =	vor.u32 v18, v39;
	v19 =	vand.u32 $0x380, v37;
	[tilespmem:v34+s18+$0x0] =	vst.idx.msk $0xffff, v36  }
0x1ae: {  	v39 =	vand.u32 $0x400, v37;
	v48 =	vor.u32 v21, v19;
	v30 =	vmul.f32 $8.000000000e+00, v31;
	v34 =	vld.idx.msk [tilespmem:v42+s15+$0x0], $0xffff;
	[tilespmem:v35+s18+$0x0] =	vst.idx.msk $0xffff, v38  }
.Ltmp9:
0x1af: {  	v13 =	vmovc v22;
	v36 =	vor.u32 v28, v23;
	v37 =	vor.u32 v39, v48;
	v31 =	vmul.f32 $8.000000000e+00, v32;
	v33 =	vld.idx.msk [tilespmem:v44+s15+$0x0], $0xffff;
	(pc) =	sbr.rel @p0 .LBB2_21-.Ltmp9, $4  }
0x1b0: {  	v42 =	vadd.s32 s21, v0;
	v38 =	vor.u32 v41, v23;
	v48 =	vor.u32 v11, v20;
	[tilespmem:v45+s18+$0x0] =	vst.idx.msk $0xffff, v30  }
0x1b1: {  	v35 =	vor.u32 v9, v48;
	v44 =	vor.u32 v12, v20;
	v32 =	vmul.f32 $8.000000000e+00, v40;
	[tilespmem:v46+s18+$0x0] =	vst.idx.msk $0xffff, v31  }
0x1b2: {  	v22 =	vmovc v39;
	v30 =	vor.u32 v13, v44;
	v40 =	vmul.f32 $8.000000000e+00, v43;
	v31 =	vor.u32 v17, v15;
	v17 =	vmovc v28  }
0x1b3: {  	s24 =	sadd.s32 $0x1, s21;
	s21 =	sadd.s32 $0x2, s21;
	v39 =	vand.u32 $0xF, v42;
	v28 =	vmovc v42;
	[tilespmem:v47+s18+$0x0] =	vst.idx.msk $0xffff, v32;
	v32 =	vor.u32 v16, v15;
	v16 =	vmov v41  }
0x1b4: {  	v41 =	vadd.s32 s24, v0  }
0x1b5: {  	v42 =	vor.u32 v26, v39;
	v43 =	vand.u32 $0xF, v41  }
0x1b6: {  	v53 =	vor.u32 v26, v43;
	_ =	sdelay $0x2  }
0x1b7: {  	v44 =	vshll.u32 v28, $0x7  }
0x1b8: {  	v45 =	vand.u32 $0x380, v44;
	v46 =	vshll.u32 v41, $0x7;
	v42 =	vld.idx.msk [tilespmem:v42+s15+$0x0], $0xffff  }
0x1b9: {  	v44 =	vand.u32 $0x400, v44;
	v47 =	vor.u32 v21, v45;
	v48 =	vand.u32 $0x380, v46;
	v26 =	vld.idx.msk [tilespmem:v53+s15+$0x0], $0xffff  }
0x1ba: {  	v46 =	vand.u32 $0x400, v46;
	v47 =	vor.u32 v44, v47;
	v54 =	vor.u32 v21, v48  }
0x1bb: {  	v49 =	vor.u32 v28, v23;
	v21 =	vor.u32 v46, v54  }
0x1bc: {  	v55 =	vor.u32 v41, v23  }
0x1bd: {  	v42 =	vmul.f32 $8.000000000e+00, v42  }
0x1be: {  	[tilespmem:v37+s18+$0x0] =	vst.idx.msk $0xffff, v40;
	v36 =	vld.idx.msk [tilespmem:v36+s15+$0x0], $0xffff;
	v26 =	vmul.f32 $8.000000000e+00, v26  }
0x1bf: {  	v56 =	vor.u32 v18, v25;
	v37 =	vld.idx.msk [tilespmem:v38+s15+$0x0], $0xffff;
	[tilespmem:v47+s18+$0x0] =	vst.idx.msk $0xffff, v42  }
0x1c0: {  	v57 =	vor.u32 v19, v25;
	v38 =	vor.u32 v14, v56;
	v58 =	vld.idx.msk [tilespmem:v49+s15+$0x0], $0xffff;
	[tilespmem:v21+s18+$0x0] =	vst.idx.msk $0xffff, v26  }
0x1c1: {  	v29 =	vor.u32 v29, v24;
	v59 =	vor.u32 v44, v25;
	v21 =	vor.u32 v22, v57;
	v23 =	vld.idx.msk [tilespmem:v55+s15+$0x0], $0xffff  }
0x1c2: {  	v27 =	vor.u32 v27, v24;
	v40 =	vor.u32 v45, v59;
	v60 =	vor.u32 v48, v25  }
0x1c3: {  	v61 =	vor.u32 v39, v24;
	v25 =	vor.u32 v46, v60;
	v36 =	vmul.f32 $8.000000000e+00, v36  }
0x1c4: {  	v62 =	vor.u32 v43, v24;
	v63 =	vmul.f32 $8.000000000e+00, v37  }
0x1c5: {  	[tilespmem:v38+s18+$0x0] =	vst.idx.msk $0xffff, v36;
	v26 =	vmul.f32 $8.000000000e+00, v58  }
0x1c6: {  	v34 =	vmul.f32 $8.000000000e+00, v34;
	v17 =	vor.u32 v17, v15;
	v29 =	vld.idx.msk [tilespmem:v29+s15+$0x0], $0xffff;
	[tilespmem:v21+s18+$0x0] =	vst.idx.msk $0xffff, v63;
	v36 =	vmul.f32 $8.000000000e+00, v23  }
0x1c7: {  	v16 =	vor.u32 v16, v15;
	v38 =	vor.u32 v18, v20;
	v27 =	vld.idx.msk [tilespmem:v27+s15+$0x0], $0xffff;
	[tilespmem:v40+s18+$0x0] =	vst.idx.msk $0xffff, v26  }
0x1c8: {  	v42 =	vor.u32 v19, v20;
	v40 =	vor.u32 v14, v38;
	v43 =	vld.idx.msk [tilespmem:v61+s15+$0x0], $0xffff;
	[tilespmem:v25+s18+$0x0] =	vst.idx.msk $0xffff, v36  }
0x1c9: {  	v51 =	vor.u32 v28, v15;
	v47 =	vor.u32 v22, v42;
	v49 =	vor.u32 v44, v20;
	v24 =	vld.idx.msk [tilespmem:v62+s15+$0x0], $0xffff  }
0x1ca: {  	v50 =	vor.u32 v48, v20;
	v37 =	vmul.f32 $8.000000000e+00, v33;
	v25 =	vor.u32 v45, v49  }
0x1cb: {  	v11 =	vor.u32 v11, v10;
	[tilespmem:v35+s18+$0x0] =	vst.idx.msk $0xffff, v34;
	v29 =	vmul.f32 $8.000000000e+00, v29;
	v20 =	vor.u32 v46, v50  }
0x1cc: {  	v31 =	vld.idx.msk [tilespmem:v31+s15+$0x0], $0xffff;
	v53 =	vor.u32 v41, v15;
	[tilespmem:v30+s18+$0x0] =	vst.idx.msk $0xffff, v37;
	v52 =	vmul.f32 $8.000000000e+00, v27  }
0x1cd: {  	v9 =	vor.u32 v9, v11;
	v54 =	vld.idx.msk [tilespmem:v32+s15+$0x0], $0xffff;
	[tilespmem:v40+s18+$0x0] =	vst.idx.msk $0xffff, v29;
	v11 =	vmul.f32 $8.000000000e+00, v43  }
0x1ce: {  	v12 =	vor.u32 v12, v10;
	v17 =	vld.idx.msk [tilespmem:v17+s15+$0x0], $0xffff;
	[tilespmem:v47+s18+$0x0] =	vst.idx.msk $0xffff, v52;
	v55 =	vmul.f32 $8.000000000e+00, v24  }
0x1cf: {  	v12 =	vor.u32 v13, v12;
	v57 =	vor.u32 v18, v10;
	v56 =	vld.idx.msk [tilespmem:v16+s15+$0x0], $0xffff;
	[tilespmem:v25+s18+$0x0] =	vst.idx.msk $0xffff, v11  }
0x1d0: {  	v58 =	vor.u32 v19, v10;
	v11 =	vor.u32 v14, v57;
	v59 =	vld.idx.msk [tilespmem:v51+s15+$0x0], $0xffff;
	[tilespmem:v20+s18+$0x0] =	vst.idx.msk $0xffff, v55  }
0x1d1: {  	v60 =	vmul.f32 $8.000000000e+00, v31;
	v61 =	vor.u32 v44, v10;
	v14 =	vor.u32 v22, v58;
	v15 =	vld.idx.msk [tilespmem:v53+s15+$0x0], $0xffff  }
0x1d2: {  	s1 =	sadd.s32 $0x1, s1;
	v10 =	vor.u32 v48, v10;
	v19 =	vor.u32 v45, v61;
	v62 =	vmul.f32 $8.000000000e+00, v54  }
0x1d3: {  	p0 =	sne.s32 s1, $0x8;
	[tilespmem:v9+s18+$0x0] =	vst.idx.msk $0xffff, v60;
	v10 =	vor.u32 v46, v10;
	v9 =	vmul.f32 $8.000000000e+00, v17  }
.Ltmp10:
0x1d4: {  	[tilespmem:v12+s18+$0x0] =	vst.idx.msk $0xffff, v62;
	v63 =	vmul.f32 $8.000000000e+00, v56;
	(pc) =	sbr.rel @p0 .LBB2_20-.Ltmp10, $4  }
0x1d5: {  	[tilespmem:v11+s18+$0x0] =	vst.idx.msk $0xffff, v9;
	v9 =	vmul.f32 $8.000000000e+00, v59  }
0x1d6: {  	[tilespmem:v14+s18+$0x0] =	vst.idx.msk $0xffff, v63;
	v11 =	vmul.f32 $8.000000000e+00, v15  }
0x1d7: {  	[tilespmem:v19+s18+$0x0] =	vst.idx.msk $0xffff, v9  }
0x1d8: {  	[tilespmem:v10+s18+$0x0] =	vst.idx.msk $0xffff, v11  }
0x1d9: {  	[hbm4b:s10+s19] =	stream.strided.scatter [tilespmem:s18], [sflag:$0x3], $0x2000, s20, s19, $0x38;
	[tilespmem:$0x12400] =	vst v63  }
0x1da: {  	_ =	swait.ge [sflag:s26], $0x2000  }
0x1db: {  	[sflag:s26] =	ssyncset.done $0x0  }
0x1dc: {  	[sflag:s26] =	ssyncadd.s32 $0xFFFFE000  }
0x1dd: {  	_ =	swait.ge [sflag:s22], $0x4000  }
0x1de: {  	[sflag:s22] =	ssyncset.done $0x0  }
0x1df: {  	s1 =	simm.s32 $0x0;
	s0 =	simm.s32 $0x0;
	[sflag:s22] =	ssyncadd.s32 $0xFFFFC000  }
.LBB2_24:
0x1e0: {  	s21 =	sshll.u32 s0, $0x4  }
0x1e1: {  	v9 =	vmov s21  }
0x1e2: {  	v9 =	vshll.u32 v9, $0x7  }
0x1e3: {  	v30 =	vadd.s32 s1, v0;
	s24 =	simm.s32 $0x1;
	v10 =	vor.u32 v4, v9  }
0x1e4: {  	v14 =	vand.u32 $0xF, v30;
	v32 =	vadd.s32 s24, v0;
	v26 =	vadd.s32 $0x4000, v10  }
0x1e5: {  	v19 =	vand.u32 $0xF, v32;
	v11 =	vor.u32 v26, v14  }
0x1e6: {  	v12 =	vor.u32 v26, v19;
	_ =	sdelay $0x2  }
0x1e7: {  	v23 =	vor.u32 s21, v5;
	v13 =	vshll.u32 v30, $0x7  }
0x1e8: {  	v16 =	vshll.u32 v32, $0x7;
	v9 =	vand.u32 $0x400, v13;
	v22 =	vadd.s32 $0x4010, v10;
	v15 =	vld.idx.msk [tilespmem:v11+s15+$0x0], $0xffff  }
0x1e9: {  	v11 =	vand.u32 $0x380, v13;
	v13 =	vor.u32 v9, v23;
	v18 =	vld.idx.msk [tilespmem:v12+s15+$0x0], $0xffff;
	v12 =	vand.u32 $0x380, v16  }
0x1ea: {  	v20 =	vor.u32 v11, v13;
	v13 =	vand.u32 $0x400, v16;
	v16 =	vor.u32 v12, v23  }
0x1eb: {  	s29 =	simm.s32 $0x2;
	v21 =	vor.u32 v30, v22;
	v28 =	vor.u32 v13, v16  }
0x1ec: {  	v17 =	vadd.s32 s29, v0;
	v31 =	vor.u32 v32, v22  }
0x1ed: {  	s30 =	simm.s32 $0x3;
	v29 =	vand.u32 $0xF, v17;
	v15 =	vmul.f32 $8.000000000e+00, v15  }
0x1ee: {  	v33 =	vor.u32 v26, v29;
	v16 =	vadd.s32 s30, v0;
	v18 =	vmul.f32 $8.000000000e+00, v18  }
0x1ef: {  	v27 =	vand.u32 $0xF, v16;
	[tilespmem:v20+s18+$0x0] =	vst.idx.msk $0xffff, v15  }
0x1f0: {  	v25 =	vor.u32 s21, v6;
	[tilespmem:v28+s18+$0x0] =	vst.idx.msk $0xffff, v18;
	v28 =	vor.u32 v26, v27;
	v21 =	vld.idx.msk [tilespmem:v21+s15+$0x0], $0xffff  }
0x1f1: {  	v18 =	vor.u32 v9, v25;
	v31 =	vld.idx.msk [tilespmem:v31+s15+$0x0], $0xffff  }
0x1f2: {  	v24 =	vadd.s32 $0x4020, v10;
	v36 =	vor.u32 v12, v25;
	v35 =	vor.u32 v11, v18  }
0x1f3: {  	v34 =	vshll.u32 v17, $0x7;
	v37 =	vor.u32 v14, v24;
	v33 =	vld.idx.msk [tilespmem:v33+s15+$0x0], $0xffff;
	v38 =	vor.u32 v13, v36  }
0x1f4: {  	v14 =	vand.u32 $0x380, v34;
	v39 =	vor.u32 v19, v24;
	v36 =	vor.u32 v17, v22  }
0x1f5: {  	v18 =	vand.u32 $0x400, v34;
	v40 =	vld.idx.msk [tilespmem:v28+s15+$0x0], $0xffff;
	v28 =	vshll.u32 v16, $0x7;
	v21 =	vmul.f32 $8.000000000e+00, v21  }
0x1f6: {  	v61 =	vor.u32 v18, v23;
	v31 =	vmul.f32 $8.000000000e+00, v31;
	v19 =	vand.u32 $0x380, v28  }
0x1f7: {  	v41 =	vor.u32 v14, v61;
	[tilespmem:v35+s18+$0x0] =	vst.idx.msk $0xffff, v21;
	v21 =	vand.u32 $0x400, v28;
	v28 =	vor.u32 v19, v23  }
0x1f8: {  	v42 =	vmul.f32 $8.000000000e+00, v33;
	v20 =	vor.u32 s21, v7;
	[tilespmem:v38+s18+$0x0] =	vst.idx.msk $0xffff, v31;
	v34 =	vld.idx.msk [tilespmem:v37+s15+$0x0], $0xffff;
	v37 =	vor.u32 v21, v28  }
0x1f9: {  	v15 =	vadd.s32 $0x4030, v10;
	v62 =	vor.u32 v9, v20;
	v38 =	vor.u32 v16, v22;
	v33 =	vld.idx.msk [tilespmem:v39+s15+$0x0], $0xffff  }
0x1fa: {  	s31 =	simm.s32 $0x4;
	v63 =	vor.u32 v12, v20;
	v35 =	vor.u32 v11, v62;
	v31 =	vor.u32 v30, v15  }
0x1fb: {  	v30 =	vor.u32 v13, v63;
	v28 =	vadd.s32 s31, v0;
	v40 =	vmul.f32 $8.000000000e+00, v40  }
0x1fc: {  	s24 =	simm.s32 $0x5;
	v10 =	vor.u32 s21, v8;
	s21 =	simm.s32 $0x6;
	v32 =	vor.u32 v32, v15;
	[tilespmem:v41+s18+$0x0] =	vst.idx.msk $0xffff, v42;
	v39 =	vand.u32 $0xF, v28  }
.LBB2_25:
0x1fd: {  	p0 =	slt.u32 s21, $0xE;
	v41 =	vadd.s32 s24, v0;
	v36 =	vld.idx.msk [tilespmem:v36+s15+$0x0], $0xffff;
	v42 =	vor.u32 v29, v24;
	[tilespmem:v37+s18+$0x0] =	vst.idx.msk $0xffff, v40;
	v34 =	vmul.f32 $8.000000000e+00, v34  }
0x1fe: {  	v37 =	vor.u32 v26, v39;
	v33 =	vmul.f32 $8.000000000e+00, v33;
	v29 =	vmovc v39;
	v40 =	vand.u32 $0xF, v41;
	v38 =	vld.idx.msk [tilespmem:v38+s15+$0x0], $0xffff  }
0x1ff: {  	v39 =	vshll.u32 v28, $0x7;
	v44 =	vor.u32 v18, v25;
	v43 =	vor.u32 v26, v40;
	[tilespmem:v35+s18+$0x0] =	vst.idx.msk $0xffff, v34  }
0x200: {  	v34 =	vor.u32 v14, v44;
	v35 =	vor.u32 v19, v25;
	v31 =	vld.idx.msk [tilespmem:v31+s15+$0x0], $0xffff;
	[tilespmem:v30+s18+$0x0] =	vst.idx.msk $0xffff, v33  }
0x201: {  	v30 =	vand.u32 $0x400, v39;
	v33 =	vand.u32 $0x380, v39;
	v35 =	vor.u32 v21, v35;
	v32 =	vld.idx.msk [tilespmem:v32+s15+$0x0], $0xffff  }
0x202: {  	v46 =	vor.u32 v9, v10;
	v44 =	vor.u32 v27, v24;
	v27 =	vmovc v40;
	v39 =	vor.u32 v30, v23  }
0x203: {  	v48 =	vor.u32 v12, v10;
	v9 =	vmovc v18;
	v45 =	vor.u32 v11, v46;
	v36 =	vmul.f32 $8.000000000e+00, v36;
	v40 =	vld.idx.msk [tilespmem:v37+s15+$0x0], $0xffff  }
0x204: {  	v46 =	vor.u32 v13, v48;
	v11 =	vmovc v14;
	v18 =	vmovc v30;
	v37 =	vshll.u32 v41, $0x7;
	v38 =	vmul.f32 $8.000000000e+00, v38;
	v43 =	vld.idx.msk [tilespmem:v43+s15+$0x0], $0xffff  }
0x205: {  	v12 =	vmovc v19;
	v14 =	vmov v33;
	v47 =	vor.u32 v33, v39;
	v19 =	vand.u32 $0x380, v37;
	[tilespmem:v34+s18+$0x0] =	vst.idx.msk $0xffff, v36  }
0x206: {  	v39 =	vand.u32 $0x400, v37;
	v48 =	vor.u32 v19, v23;
	v30 =	vmul.f32 $8.000000000e+00, v31;
	v34 =	vld.idx.msk [tilespmem:v42+s15+$0x0], $0xffff;
	[tilespmem:v35+s18+$0x0] =	vst.idx.msk $0xffff, v38  }
.Ltmp11:
0x207: {  	v13 =	vmovc v21;
	v36 =	vor.u32 v28, v22;
	v37 =	vor.u32 v39, v48;
	v31 =	vmul.f32 $8.000000000e+00, v32;
	v33 =	vld.idx.msk [tilespmem:v44+s15+$0x0], $0xffff;
	(pc) =	sbr.rel @p0 .LBB2_25-.Ltmp11, $4  }
0x208: {  	v42 =	vadd.s32 s21, v0;
	v38 =	vor.u32 v41, v22;
	v48 =	vor.u32 v9, v20;
	[tilespmem:v45+s18+$0x0] =	vst.idx.msk $0xffff, v30  }
0x209: {  	v35 =	vor.u32 v11, v48;
	v44 =	vor.u32 v12, v20;
	v32 =	vmul.f32 $8.000000000e+00, v40;
	[tilespmem:v46+s18+$0x0] =	vst.idx.msk $0xffff, v31  }
0x20a: {  	v21 =	vmovc v39;
	v30 =	vor.u32 v13, v44;
	v40 =	vmul.f32 $8.000000000e+00, v43;
	v31 =	vor.u32 v17, v15;
	v17 =	vmovc v28  }
0x20b: {  	s24 =	sadd.s32 $0x1, s21;
	s21 =	sadd.s32 $0x2, s21;
	v39 =	vand.u32 $0xF, v42;
	v28 =	vmovc v42;
	[tilespmem:v47+s18+$0x0] =	vst.idx.msk $0xffff, v32;
	v32 =	vor.u32 v16, v15;
	v16 =	vmov v41  }
0x20c: {  	v41 =	vadd.s32 s24, v0  }
0x20d: {  	v42 =	vor.u32 v26, v39;
	v43 =	vand.u32 $0xF, v41  }
0x20e: {  	v53 =	vor.u32 v26, v43;
	_ =	sdelay $0x2  }
0x20f: {  	v44 =	vshll.u32 v28, $0x7  }
0x210: {  	v45 =	vand.u32 $0x400, v44;
	v46 =	vshll.u32 v41, $0x7;
	v42 =	vld.idx.msk [tilespmem:v42+s15+$0x0], $0xffff  }
0x211: {  	v44 =	vand.u32 $0x380, v44;
	v47 =	vor.u32 v45, v23;
	v48 =	vand.u32 $0x380, v46;
	v26 =	vld.idx.msk [tilespmem:v53+s15+$0x0], $0xffff  }
0x212: {  	v46 =	vand.u32 $0x400, v46;
	v47 =	vor.u32 v44, v47;
	v54 =	vor.u32 v48, v23  }
0x213: {  	v49 =	vor.u32 v28, v22;
	v23 =	vor.u32 v46, v54  }
0x214: {  	v55 =	vor.u32 v41, v22  }
0x215: {  	v42 =	vmul.f32 $8.000000000e+00, v42  }
0x216: {  	[tilespmem:v37+s18+$0x0] =	vst.idx.msk $0xffff, v40;
	v36 =	vld.idx.msk [tilespmem:v36+s15+$0x0], $0xffff;
	v26 =	vmul.f32 $8.000000000e+00, v26  }
0x217: {  	v56 =	vor.u32 v18, v25;
	v37 =	vld.idx.msk [tilespmem:v38+s15+$0x0], $0xffff;
	[tilespmem:v47+s18+$0x0] =	vst.idx.msk $0xffff, v42  }
0x218: {  	v57 =	vor.u32 v19, v25;
	v38 =	vor.u32 v14, v56;
	v58 =	vld.idx.msk [tilespmem:v49+s15+$0x0], $0xffff;
	[tilespmem:v23+s18+$0x0] =	vst.idx.msk $0xffff, v26  }
0x219: {  	v29 =	vor.u32 v29, v24;
	v59 =	vor.u32 v45, v25;
	v23 =	vor.u32 v21, v57;
	v22 =	vld.idx.msk [tilespmem:v55+s15+$0x0], $0xffff  }
0x21a: {  	v27 =	vor.u32 v27, v24;
	v40 =	vor.u32 v44, v59;
	v60 =	vor.u32 v48, v25  }
0x21b: {  	v61 =	vor.u32 v39, v24;
	v25 =	vor.u32 v46, v60;
	v36 =	vmul.f32 $8.000000000e+00, v36  }
0x21c: {  	v62 =	vor.u32 v43, v24;
	v63 =	vmul.f32 $8.000000000e+00, v37  }
0x21d: {  	[tilespmem:v38+s18+$0x0] =	vst.idx.msk $0xffff, v36;
	v26 =	vmul.f32 $8.000000000e+00, v58  }
0x21e: {  	v34 =	vmul.f32 $8.000000000e+00, v34;
	v17 =	vor.u32 v17, v15;
	v29 =	vld.idx.msk [tilespmem:v29+s15+$0x0], $0xffff;
	[tilespmem:v23+s18+$0x0] =	vst.idx.msk $0xffff, v63;
	v22 =	vmul.f32 $8.000000000e+00, v22  }
0x21f: {  	v16 =	vor.u32 v16, v15;
	v38 =	vor.u32 v18, v20;
	v27 =	vld.idx.msk [tilespmem:v27+s15+$0x0], $0xffff;
	[tilespmem:v40+s18+$0x0] =	vst.idx.msk $0xffff, v26  }
0x220: {  	v42 =	vor.u32 v19, v20;
	v40 =	vor.u32 v14, v38;
	v43 =	vld.idx.msk [tilespmem:v61+s15+$0x0], $0xffff;
	[tilespmem:v25+s18+$0x0] =	vst.idx.msk $0xffff, v22  }
0x221: {  	v51 =	vor.u32 v28, v15;
	v47 =	vor.u32 v21, v42;
	v49 =	vor.u32 v45, v20;
	v24 =	vld.idx.msk [tilespmem:v62+s15+$0x0], $0xffff  }
0x222: {  	v50 =	vor.u32 v48, v20;
	v37 =	vmul.f32 $8.000000000e+00, v33;
	v25 =	vor.u32 v44, v49  }
0x223: {  	v9 =	vor.u32 v9, v10;
	[tilespmem:v35+s18+$0x0] =	vst.idx.msk $0xffff, v34;
	v29 =	vmul.f32 $8.000000000e+00, v29;
	v20 =	vor.u32 v46, v50  }
0x224: {  	v31 =	vld.idx.msk [tilespmem:v31+s15+$0x0], $0xffff;
	v53 =	vor.u32 v41, v15;
	[tilespmem:v30+s18+$0x0] =	vst.idx.msk $0xffff, v37;
	v52 =	vmul.f32 $8.000000000e+00, v27  }
0x225: {  	v9 =	vor.u32 v11, v9;
	v54 =	vld.idx.msk [tilespmem:v32+s15+$0x0], $0xffff;
	[tilespmem:v40+s18+$0x0] =	vst.idx.msk $0xffff, v29;
	v11 =	vmul.f32 $8.000000000e+00, v43  }
0x226: {  	v12 =	vor.u32 v12, v10;
	v17 =	vld.idx.msk [tilespmem:v17+s15+$0x0], $0xffff;
	[tilespmem:v47+s18+$0x0] =	vst.idx.msk $0xffff, v52;
	v55 =	vmul.f32 $8.000000000e+00, v24  }
0x227: {  	v12 =	vor.u32 v13, v12;
	v57 =	vor.u32 v18, v10;
	v56 =	vld.idx.msk [tilespmem:v16+s15+$0x0], $0xffff;
	[tilespmem:v25+s18+$0x0] =	vst.idx.msk $0xffff, v11  }
0x228: {  	v58 =	vor.u32 v19, v10;
	v11 =	vor.u32 v14, v57;
	v59 =	vld.idx.msk [tilespmem:v51+s15+$0x0], $0xffff;
	[tilespmem:v20+s18+$0x0] =	vst.idx.msk $0xffff, v55  }
0x229: {  	v60 =	vmul.f32 $8.000000000e+00, v31;
	v61 =	vor.u32 v45, v10;
	v14 =	vor.u32 v21, v58;
	v15 =	vld.idx.msk [tilespmem:v53+s15+$0x0], $0xffff  }
0x22a: {  	s0 =	sadd.s32 $0x1, s0;
	v10 =	vor.u32 v48, v10;
	v19 =	vor.u32 v44, v61;
	v62 =	vmul.f32 $8.000000000e+00, v54  }
0x22b: {  	p0 =	sne.s32 s0, $0x8;
	[tilespmem:v9+s18+$0x0] =	vst.idx.msk $0xffff, v60;
	v10 =	vor.u32 v46, v10;
	v9 =	vmul.f32 $8.000000000e+00, v17  }
.Ltmp12:
0x22c: {  	[tilespmem:v12+s18+$0x0] =	vst.idx.msk $0xffff, v62;
	v63 =	vmul.f32 $8.000000000e+00, v56;
	(pc) =	sbr.rel @p0 .LBB2_24-.Ltmp12, $4  }
0x22d: {  	[tilespmem:v11+s18+$0x0] =	vst.idx.msk $0xffff, v9;
	v9 =	vmul.f32 $8.000000000e+00, v59  }
0x22e: {  	[tilespmem:v14+s18+$0x0] =	vst.idx.msk $0xffff, v63;
	v11 =	vmul.f32 $8.000000000e+00, v15  }
0x22f: {  	[tilespmem:v19+s18+$0x0] =	vst.idx.msk $0xffff, v9  }
0x230: {  	[tilespmem:v10+s18+$0x0] =	vst.idx.msk $0xffff, v11  }
0x231: {  	[hbm4b:s11+s19] =	stream.strided.scatter [tilespmem:s23], [sflag:$0x4], $0x2000, s20, s19, $0x38;
	[tilespmem:$0x12400] =	vst v63  }
0x232: {  	s28 =	sadd.s32 $0x1, s28  }
0x233: {  	_ =	swait.ge [sflag:s25], $0x2000;
	p0 =	sne.s32 s28, s12  }
.Ltmp13:
0x234: {  	[sflag:s25] =	ssyncset.done $0x0;
	(pc) =	sbr.rel @p0 .LBB2_1-.Ltmp13, $4  }
0x235: {  	[sflag:s25] =	ssyncadd.s32 $0xFFFFE000  }
0x236: {  	_ =	swait.ge [sflag:s26], $0x2000  }
0x237: {  	[sflag:s26] =	ssyncset.done $0x0  }
0x238: {  	[sflag:s26] =	ssyncadd.s32 $0xFFFFE000  }
0x239: {  	_ =	sfence.sel $0x180000  }
0x23a: {  	[bflag:$0x0] =	sbarrier.arrive $0xFFFF  }
0x23b: {  	_ =	strace $0x90000047  }
0x23c: {  	s0 =	stileid.u32;
	[bflag:$0x2] =	sbarrier.arrive $0xFFFF  }
0x23d: {  	p0 =	sne.s32 s0, $0x0;
	s0 =	rddreg [dreg:$0x3]  }
0x23e: {  	s0 =	sadd.s32 @!p0 $0x100000, s0  }
0x23f: {  	[sflag:s0] =	ssyncadd.tile.s32 @!p0 $0x1;
	_ =	shalt  }
.Lfunc_end2:
_tile_overlayer_lowered:
.L_overlay_start_2:
0x240: {  	(tag) =	ssettag $0x2  }
0x241: {  	s0 =	rddreg [dreg:$0x0];
	s2 =	stileid.u32  }
0x242: {  	s1 =	rddreg [dreg:$0x1];
	p0 =	sne.s32 s2, $0x0  }
0x243: {  	s3 =	rddreg [dreg:$0x2];
	[bflag:$0x3] =	sbarrier.arrive $0xFFFF;
	s2 =	simm.s32 @!p0 $0x1C05  }
0x244: {  	[timem:s3], [sflag:s2] =	dma.local @!p0 [hbm:s0], s1  }
0x245: {  	s0 =	simm.s32 @!p0 $0x5  }
0x246: {  	_ =	swait.ge @!p0 [sflag:s0], s1  }
0x247: {  	s1 =	ssub.s32 @!p0 $0x0, s1;
	[sflag:s0] =	ssyncset.done @!p0 $0x0  }
0x248: {  	[sflag:s0] =	ssyncadd.s32 @!p0 s1  }
0x249: {  	[bflag:$0x3] =	sbarrier.arrive $0xFFFF  }
0x24a: {  	_ =	shalt  }

</sc_bundles>
